<compile_context>
chip_gen: v7x
topology: tpu7x:2x2x1
jax: 0.10.2.dev20260603
libtpu: 0.0.44.dev20260713+nightly
codegen_flags: <defaults>
</compile_context>

<pallas_src>
import functools

import jax
import jax.numpy as jnp
from jax import lax
from jax.experimental import pallas as pl
from jax.experimental.pallas import tpu as pltpu
from jax.experimental.pallas import tpu_sc as plsc

N = 10000
D = 128
E = 320000

NC = 2
NS = 16
NW = NC * NS
C = 80
NCHUNK = 129
EPW = C * NCHUNK
EPAD = NW * EPW
CD = 96
NCHUNKD = 106
EPWD = CD * NCHUNKD
EPADD = NW * EPWD
NPAD = 10240
RPS = NPAD // NS
DEGW = 16


def _vmesh():
    return plsc.VectorSubcoreMesh(core_axis_name="c", subcore_axis_name="s")


def _sc_degree(dst3, ones_rows, zeros_deg):

    @functools.partial(
        pl.kernel,
        out_type=jax.ShapeDtypeStruct((NC, NPAD, DEGW), jnp.float32),
        mesh=_vmesh(),
        scratch_types=[
            pltpu.VMEM((NCHUNKD, CD), jnp.int32),
            pltpu.VMEM((CD, DEGW), jnp.float32),
            pltpu.SemaphoreType.DMA,
            pltpu.VMEM_SHARED((NPAD, DEGW), jnp.float32),
        ],
    )
    def k(dst_hbm, ones_hbm, zeros_hbm, out_hbm, didx, ones_v, ssem, acc):
        c = lax.axis_index("c")
        s = lax.axis_index("s")
        wid = c * NS + s
        pltpu.sync_copy(ones_hbm, ones_v)
        pltpu.sync_copy(dst_hbm.at[wid], didx)
        pltpu.sync_copy(zeros_hbm, acc.at[pl.ds(s * RPS, RPS)])
        plsc.subcore_barrier()

        @pl.loop(0, NCHUNKD)
        def _(i):
            pltpu.sync_copy(ones_v, acc.at[didx.at[i]], add=True)

        plsc.subcore_barrier()
        pltpu.sync_copy(acc.at[pl.ds(s * RPS, RPS)],
                        out_hbm.at[c, pl.ds(s * RPS, RPS)])

    return k(dst3, ones_rows, zeros_deg)


def _sc_propagate(h, src3, dst3, zeros_feat):

    @functools.partial(
        pl.kernel,
        out_type=jax.ShapeDtypeStruct((NC, NPAD, D), jnp.float32),
        mesh=_vmesh(),
        scratch_types=[
            pltpu.VMEM((EPW,), jnp.int32),
            pltpu.VMEM((1, C), jnp.int32),
            pltpu.VMEM((1, C), jnp.int32),
            pltpu.VMEM((1, C), jnp.int32),
            pltpu.VMEM((C, D), jnp.float32),
            pltpu.VMEM((C, D), jnp.float32),
            pltpu.VMEM((C, D), jnp.float32),
            pltpu.SemaphoreType.DMA,
            pltpu.SemaphoreType.DMA,
            pltpu.SemaphoreType.DMA,
            pltpu.SemaphoreType.DMA,
            pltpu.SemaphoreType.DMA,
            pltpu.SemaphoreType.DMA,
            pltpu.SemaphoreType.DMA,
            pltpu.SemaphoreType.DMA,
            pltpu.SemaphoreType.DMA,
            pltpu.VMEM_SHARED((NPAD, D), jnp.float32),
        ],
    )
    def k(h_hbm, src_hbm, dst_hbm, zeros_hbm, out_hbm,
          sidx, dg0, dg1, dg2, r0, r1, r2,
          gs0, gs1, gs2, ss0, ss1, ss2, ds0, ds1, ds2, acc):
        c = lax.axis_index("c")
        s = lax.axis_index("s")
        wid = c * NS + s
        rows = [r0, r1, r2]
        dstage = [dg0, dg1, dg2]
        gs = [gs0, gs1, gs2]
        ss = [ss0, ss1, ss2]
        ds = [ds0, ds1, ds2]
        pltpu.sync_copy(src_hbm.at[wid], sidx)
        pltpu.sync_copy(zeros_hbm, acc.at[pl.ds(s * RPS, RPS)])
        plsc.subcore_barrier()
        base = wid * EPW

        def stage(i, b):
            pltpu.async_copy(dst_hbm.at[pl.ds(base + i * C, C)],
                             dstage[b].at[0], ds[b])

        def dwait(b):
            pltpu.make_async_copy(dst_hbm.at[pl.ds(0, C)],
                                  dstage[b].at[0], ds[b]).wait()

        def gather(i, b):
            pltpu.async_copy(h_hbm.at[sidx.at[pl.ds(i * C, C)]], rows[b], gs[b])

        def gwait(b):
            pltpu.make_async_copy(h_hbm.at[pl.ds(0, C)], rows[b], gs[b]).wait()

        def scat(b):
            pltpu.async_copy(rows[b], acc.at[dstage[b].at[0]], ss[b], add=True)

        def swait(b):
            pltpu.make_async_copy(rows[b], acc.at[pl.ds(0, C)], ss[b]).wait()

        stage(0, 0)
        gather(0, 0)
        stage(1, 1)
        gather(1, 1)

        @pl.loop(0, NCHUNK, step=3)
        def _(i):
            for j in range(3):
                k_ = i + j
                bn = (j + 2) % 3

                @pl.when(k_ >= 1)
                def _():
                    swait(bn)

                @pl.when(k_ + 2 < NCHUNK)
                def _():
                    stage(k_ + 2, bn)
                    gather(k_ + 2, bn)

                gwait(j)
                dwait(j)
                scat(j)

        swait((NCHUNK - 1) % 3)
        plsc.subcore_barrier()
        pltpu.sync_copy(acc.at[pl.ds(s * RPS, RPS)],
                        out_hbm.at[c, pl.ds(s * RPS, RPS)])

    return k(h, src3, dst3, zeros_feat)


def _tc_prep(features, dp):

    def body(f_ref, dp_ref, hs_ref, hinit_ref):
        indeg = dp_ref[0, :N, 0:1] + dp_ref[1, :N, 0:1]
        rs = lax.rsqrt(indeg)
        f = f_ref[...]
        hs_ref[:N] = f * rs
        hs_ref[N:] = jnp.zeros((NPAD - N, D), jnp.float32)
        hinit_ref[...] = f * (rs * rs)

    return pl.pallas_call(
        body,
        out_shape=(
            jax.ShapeDtypeStruct((NPAD, D), jnp.float32),
            jax.ShapeDtypeStruct((N, D), jnp.float32),
        ),
    )(features, dp)


def _tc_mid(p, dp, hinit):

    def body(p_ref, dp_ref, hinit_ref, out_ref):
        indeg = dp_ref[0, :N, 0:1] + dp_ref[1, :N, 0:1]
        rs = lax.rsqrt(indeg)
        h1 = (p_ref[0, :N] + p_ref[1, :N]) * rs + hinit_ref[...]
        out_ref[:N] = h1 * rs
        out_ref[N:] = jnp.zeros((NPAD - N, D), jnp.float32)

    return pl.pallas_call(
        body,
        out_shape=jax.ShapeDtypeStruct((NPAD, D), jnp.float32),
    )(p, dp, hinit)


def _tc_final(p, dp, hinit):

    def body(p_ref, dp_ref, hinit_ref, out_ref):
        indeg = dp_ref[0, :N, 0:1] + dp_ref[1, :N, 0:1]
        rs = lax.rsqrt(indeg)
        out_ref[...] = (p_ref[0, :N] + p_ref[1, :N]) * rs + hinit_ref[...]

    return pl.pallas_call(
        body,
        out_shape=jax.ShapeDtypeStruct((N, D), jnp.float32),
    )(p, dp, hinit)


@jax.jit
def kernel(features, edge_index):
    src = edge_index[0]
    dst = edge_index[1]
    iota_p = jnp.arange(EPAD - E, dtype=jnp.int32)
    src3 = jnp.concatenate(
        [src, N + iota_p % (NPAD - N)]).reshape(NW, EPW)
    dst2 = jnp.concatenate([dst, iota_p % NPAD])
    iota_d = jnp.arange(EPADD - E, dtype=jnp.int32)
    dst3deg = jnp.concatenate(
        [dst, N + iota_d % (NPAD - N)]).reshape(NW, NCHUNKD, CD)

    ones_rows = jnp.ones((CD, DEGW), jnp.float32)
    zeros_deg = jnp.zeros((RPS, DEGW), jnp.float32)
    zeros_feat = jnp.zeros((RPS, D), jnp.float32)

    dp = _sc_degree(dst3deg, ones_rows, zeros_deg)
    hs0, hinit = _tc_prep(features, dp)
    p1 = _sc_propagate(hs0, src3, dst2, zeros_feat)
    hs1 = _tc_mid(p1, dp, hinit)
    p2 = _sc_propagate(hs1, src3, dst2, zeros_feat)
    return _tc_final(p2, dp, hinit)

# --- scband reference (transcript-rebuilt; emitter-appended) ---
"""Pipeline reference for scband-vsgclayer-40467181863409 (READ-ONLY COPY).

The authoritative reference and input builder live on the scoring server;
editing this copy changes nothing except your own understanding.
"""

import jax, jax.numpy as jnp
import numpy as np

N_NODES = 10000
N_EDGES = 320000
D_FEAT = 128
K = 2
ALP = 1.0
LAM = 1.0


def setup_inputs(seed: int = 0) -> dict:
    key = jax.random.key(seed)
    k1, k2 = jax.random.split(key)
    features = jax.random.normal(k1, (N_NODES, D_FEAT), dtype=jnp.float32)
    edge_index = jax.random.randint(k2, (2, N_EDGES), 0, N_NODES, dtype=jnp.int32)
    return {"features": features, "edge_index": edge_index}


def reference(features, edge_index):
    # VSGCLayer forward: DGL graph replaced by edge_index[2, E] (row 0 = src, row 1 = dst).
    k, alp, lam = K, ALP, LAM
    n = features.shape[0]
    src = edge_index[0]
    dst = edge_index[1]
    # g.in_degrees(): count of incoming edges per node (scatter-add of ones by dst)
    indeg = jnp.zeros((n,), dtype=jnp.float32).at[dst].add(1.0)
    degs = indeg - 1.0
    norm_lambd_1 = jnp.power(lam * degs + 1.0, -1.0)[:, None]
    norm05 = jnp.power(degs + 1.0, 0.5)[:, None]
    norm_05 = jnp.power(degs + 1.0, -0.5)[:, None]
    h = features
    h_pre = h
    h_initial = h * norm_lambd_1
    for _ in range(k):
        h = h * norm_05
        # update_all(copy_u('h','m'), sum('m','h')): gather from src, scatter-add to dst
        msgs = jnp.take(h, src, axis=0)
        h = jnp.zeros_like(h).at[dst].add(msgs)
        h = h * norm_lambd_1 * norm05
        h = alp * lam * h + (1.0 - alp) * h_pre + alp * h_initial
        h_pre = h
    return h

if __name__ == "__main__":
    import jax
    _d = setup_inputs()
    print(jax.jit(kernel)(*tuple(_d.values())))

</pallas_src>

<mosaic_0001>
#map = affine_map<(d0, d1) -> (0, 0)>
#map1 = affine_map<(d0, d1) -> (0)>
#map2 = affine_map<(d0, d1) -> (0, 0, 0)>
module attributes {stable_mosaic.version = 14 : i64} {
  func.func @k(%arg0: i32, %arg1: i32, %arg2: memref<10240x128xf32, #tpu.memory_space<hbm>>, %arg3: memref<32x10320xi32, #tpu.memory_space<hbm>>, %arg4: memref<330240xi32, #tpu.memory_space<hbm>>, %arg5: memref<640x128xf32, #tpu.memory_space<hbm>>, %arg6: memref<2x10240x128xf32, #tpu.memory_space<hbm>>, %arg7: memref<10320xi32, #tpu.memory_space<vmem>>, %arg8: memref<1x80xi32, #tpu.memory_space<vmem>>, %arg9: memref<1x80xi32, #tpu.memory_space<vmem>>, %arg10: memref<1x80xi32, #tpu.memory_space<vmem>>, %arg11: memref<80x128xf32, #tpu.memory_space<vmem>>, %arg12: memref<80x128xf32, #tpu.memory_space<vmem>>, %arg13: memref<80x128xf32, #tpu.memory_space<vmem>>, %arg14: memref<!tpu.dma_semaphore, #tpu.memory_space<semaphore_mem>>, %arg15: memref<!tpu.dma_semaphore, #tpu.memory_space<semaphore_mem>>, %arg16: memref<!tpu.dma_semaphore, #tpu.memory_space<semaphore_mem>>, %arg17: memref<!tpu.dma_semaphore, #tpu.memory_space<semaphore_mem>>, %arg18: memref<!tpu.dma_semaphore, #tpu.memory_space<semaphore_mem>>, %arg19: memref<!tpu.dma_semaphore, #tpu.memory_space<semaphore_mem>>, %arg20: memref<!tpu.dma_semaphore, #tpu.memory_space<semaphore_mem>>, %arg21: memref<!tpu.dma_semaphore, #tpu.memory_space<semaphore_mem>>, %arg22: memref<!tpu.dma_semaphore, #tpu.memory_space<semaphore_mem>>, %arg23: memref<10240x128xf32, #tpu.memory_space<vmem_shared>>) attributes {dimension_semantics = [#tpu.dimension_semantics<core_parallel>, #tpu.dimension_semantics<subcore_parallel>], iteration_bounds = array<i64: 2, 16>, scalar_prefetch = 0 : i64, scratch_operands = 17 : i64, tpu.core_type = #tpu.core_type<sc_vector_subcore>, window_params = [{transform_indices = #map}, {transform_indices = #map}, {transform_indices = #map1}, {transform_indices = #map}, {transform_indices = #map2}]} {
    %mul3A = arith.constant 16 : i32
    %mul3A_0 = arith.muli %arg0, %mul3A : i32
    %add3A = arith.addi %mul3A_0, %arg1 : i32
    "tpu.region"() ({
      %run_scoped3A = tpu.sem_alloc : memref<!tpu.dma_semaphore, #tpu.memory_space<semaphore_mem>>
      %dma_start3A_50 = arith.constant 0 : i32
      %dma_start3A_51 = tpu.memref_slice %arg3[%add3A, %dma_start3A_50] : memref<32x10320xi32, #tpu.memory_space<hbm>> -> memref<1x10320xi32, #tpu.memory_space<hbm>>
      %dma_start3A_52 = tpu.memref_squeeze %dma_start3A_51 : memref<1x10320xi32, #tpu.memory_space<hbm>> -> memref<10320xi32, #tpu.memory_space<hbm>>
      %dma_start3A_53 = arith.constant 0 : i32
      %dma_start3A_54 = tpu.memref_slice %arg3[%add3A, %dma_start3A_53] : memref<32x10320xi32, #tpu.memory_space<hbm>> -> memref<1x10320xi32, #tpu.memory_space<hbm>>
      %dma_start3A_55 = tpu.memref_squeeze %dma_start3A_54 : memref<1x10320xi32, #tpu.memory_space<hbm>> -> memref<10320xi32, #tpu.memory_space<hbm>>
      tpu.enqueue_dma source(%dma_start3A_55 : memref<10320xi32, #tpu.memory_space<hbm>>) target(%arg7 : memref<10320xi32, #tpu.memory_space<vmem>>) target_semaphore(%run_scoped3A : memref<!tpu.dma_semaphore, #tpu.memory_space<semaphore_mem>>)
      %dma_wait3A_56 = arith.constant 0 : i32
      %dma_wait3A_57 = tpu.memref_slice %arg3[%add3A, %dma_wait3A_56] : memref<32x10320xi32, #tpu.memory_space<hbm>> -> memref<1x10320xi32, #tpu.memory_space<hbm>>
      %dma_wait3A_58 = tpu.memref_squeeze %dma_wait3A_57 : memref<1x10320xi32, #tpu.memory_space<hbm>> -> memref<10320xi32, #tpu.memory_space<hbm>>
      %dma_wait3A_59 = arith.constant 0 : i32
      %dma_wait3A_60 = tpu.memref_slice %arg3[%add3A, %dma_wait3A_59] : memref<32x10320xi32, #tpu.memory_space<hbm>> -> memref<1x10320xi32, #tpu.memory_space<hbm>>
      %dma_wait3A_61 = tpu.memref_squeeze %dma_wait3A_60 : memref<1x10320xi32, #tpu.memory_space<hbm>> -> memref<10320xi32, #tpu.memory_space<hbm>>
      tpu.wait_dma2 semaphore(%run_scoped3A : memref<!tpu.dma_semaphore, #tpu.memory_space<semaphore_mem>>) src(%dma_wait3A_61 : memref<10320xi32, #tpu.memory_space<hbm>>) dst(%arg7 : memref<10320xi32, #tpu.memory_space<vmem>>)
      tpu.yield
    }) : () -> ()
    %mul3A_1 = arith.constant 640 : i32
    %mul3A_2 = arith.muli %arg1, %mul3A_1 : i32
    "tpu.region"() ({
      %run_scoped3A = tpu.sem_alloc : memref<!tpu.dma_semaphore, #tpu.memory_space<semaphore_mem>>
      %dma_start3A_50 = arith.constant 0 : i32
      %dma_start3A_51 = tpu.memref_slice %arg23[%mul3A_2, %dma_start3A_50] : memref<10240x128xf32, #tpu.memory_space<vmem_shared>> -> memref<640x128xf32, #tpu.memory_space<vmem_shared>>
      tpu.enqueue_dma source(%arg5 : memref<640x128xf32, #tpu.memory_space<hbm>>) target(%dma_start3A_51 : memref<640x128xf32, #tpu.memory_space<vmem_shared>>) target_semaphore(%run_scoped3A : memref<!tpu.dma_semaphore, #tpu.memory_space<semaphore_mem>>)
      %dma_wait3A_52 = arith.constant 0 : i32
      %dma_wait3A_53 = tpu.memref_slice %arg23[%mul3A_2, %dma_wait3A_52] : memref<10240x128xf32, #tpu.memory_space<vmem_shared>> -> memref<640x128xf32, #tpu.memory_space<vmem_shared>>
      tpu.wait_dma2 semaphore(%run_scoped3A : memref<!tpu.dma_semaphore, #tpu.memory_space<semaphore_mem>>) src(%arg5 : memref<640x128xf32, #tpu.memory_space<hbm>>) dst(%dma_wait3A_53 : memref<640x128xf32, #tpu.memory_space<vmem_shared>>)
      tpu.yield
    }) : () -> ()
    %barrier3A = arith.constant 0 : index
    tpu.barrier barrier_id(%barrier3A)
    %mul3A_3 = arith.constant 10320 : i32
    %mul3A_4 = arith.muli %add3A, %mul3A_3 : i32
    %add3A_5 = arith.constant 0 : i32
    %add3A_6 = arith.addi %mul3A_4, %add3A_5 : i32
    %dma_start3A = arith.constant 0 : i32
    %dma_start3A_7 = arith.constant 0 : i32
    %dma_start3A_8 = tpu.memref_slice %arg8[%dma_start3A, %dma_start3A_7] : memref<1x80xi32, #tpu.memory_space<vmem>> -> memref<1x80xi32, #tpu.memory_space<vmem>>
    %dma_start3A_9 = tpu.memref_squeeze %dma_start3A_8 : memref<1x80xi32, #tpu.memory_space<vmem>> -> memref<80xi32, #tpu.memory_space<vmem>>
    %dma_start3A_10 = tpu.memref_slice %arg4[%add3A_6] : memref<330240xi32, #tpu.memory_space<hbm>> -> memref<80xi32, #tpu.memory_space<hbm>>
    %dma_start3A_11 = arith.constant 0 : i32
    %dma_start3A_12 = tpu.memref_slice %arg8[%dma_start3A, %dma_start3A_11] : memref<1x80xi32, #tpu.memory_space<vmem>> -> memref<1x80xi32, #tpu.memory_space<vmem>>
    %dma_start3A_13 = tpu.memref_squeeze %dma_start3A_12 : memref<1x80xi32, #tpu.memory_space<vmem>> -> memref<80xi32, #tpu.memory_space<vmem>>
    %dma_start3A_14 = tpu.memref_slice %arg4[%add3A_6] : memref<330240xi32, #tpu.memory_space<hbm>> -> memref<80xi32, #tpu.memory_space<hbm>>
    tpu.enqueue_dma source(%dma_start3A_14 : memref<80xi32, #tpu.memory_space<hbm>>) target(%dma_start3A_13 : memref<80xi32, #tpu.memory_space<vmem>>) target_semaphore(%arg20 : memref<!tpu.dma_semaphore, #tpu.memory_space<semaphore_mem>>)
    %dma_start3A_15 = arith.constant 0 : i32
    %dma_start3A_16 = tpu.memref_slice %arg7[%dma_start3A_15] : memref<10320xi32, #tpu.memory_space<vmem>> -> memref<80xi32, #tpu.memory_space<vmem>>
    %dma_start3A_17 = arith.constant 0 : i32
    %dma_start3A_18 = arith.constant 0 : i32
    %dma_start3A_19 = tpu.memref_slice %arg2[%dma_start3A_17, %dma_start3A_18] : memref<10240x128xf32, #tpu.memory_space<hbm>> -> memref<10240x128xf32, #tpu.memory_space<hbm>>
    tpu.enqueue_indirect_dma source(%dma_start3A_19 : memref<10240x128xf32, #tpu.memory_space<hbm>>) target(%arg11 : memref<80x128xf32, #tpu.memory_space<vmem>>) offsets(%dma_start3A_16 : memref<80xi32, #tpu.memory_space<vmem>>) semaphore(%arg14 : memref<!tpu.dma_semaphore, #tpu.memory_space<semaphore_mem>>)
    %add3A_20 = arith.constant 80 : i32
    %add3A_21 = arith.addi %mul3A_4, %add3A_20 : i32
    %dma_start3A_22 = arith.constant 0 : i32
    %dma_start3A_23 = arith.constant 0 : i32
    %dma_start3A_24 = tpu.memref_slice %arg9[%dma_start3A_22, %dma_start3A_23] : memref<1x80xi32, #tpu.memory_space<vmem>> -> memref<1x80xi32, #tpu.memory_space<vmem>>
    %dma_start3A_25 = tpu.memref_squeeze %dma_start3A_24 : memref<1x80xi32, #tpu.memory_space<vmem>> -> memref<80xi32, #tpu.memory_space<vmem>>
    %dma_start3A_26 = tpu.memref_slice %arg4[%add3A_21] : memref<330240xi32, #tpu.memory_space<hbm>> -> memref<80xi32, #tpu.memory_space<hbm>>
    %dma_start3A_27 = arith.constant 0 : i32
    %dma_start3A_28 = tpu.memref_slice %arg9[%dma_start3A_22, %dma_start3A_27] : memref<1x80xi32, #tpu.memory_space<vmem>> -> memref<1x80xi32, #tpu.memory_space<vmem>>
    %dma_start3A_29 = tpu.memref_squeeze %dma_start3A_28 : memref<1x80xi32, #tpu.memory_space<vmem>> -> memref<80xi32, #tpu.memory_space<vmem>>
    %dma_start3A_30 = tpu.memref_slice %arg4[%add3A_21] : memref<330240xi32, #tpu.memory_space<hbm>> -> memref<80xi32, #tpu.memory_space<hbm>>
    tpu.enqueue_dma source(%dma_start3A_30 : memref<80xi32, #tpu.memory_space<hbm>>) target(%dma_start3A_29 : memref<80xi32, #tpu.memory_space<vmem>>) target_semaphore(%arg21 : memref<!tpu.dma_semaphore, #tpu.memory_space<semaphore_mem>>)
    %dma_start3A_31 = arith.constant 80 : i32
    %dma_start3A_32 = tpu.memref_slice %arg7[%dma_start3A_31] : memref<10320xi32, #tpu.memory_space<vmem>> -> memref<80xi32, #tpu.memory_space<vmem>>
    %dma_start3A_33 = arith.constant 0 : i32
    %dma_start3A_34 = arith.constant 0 : i32
    %dma_start3A_35 = tpu.memref_slice %arg2[%dma_start3A_33, %dma_start3A_34] : memref<10240x128xf32, #tpu.memory_space<hbm>> -> memref<10240x128xf32, #tpu.memory_space<hbm>>
    tpu.enqueue_indirect_dma source(%dma_start3A_35 : memref<10240x128xf32, #tpu.memory_space<hbm>>) target(%arg12 : memref<80x128xf32, #tpu.memory_space<vmem>>) offsets(%dma_start3A_32 : memref<80xi32, #tpu.memory_space<vmem>>) semaphore(%arg15 : memref<!tpu.dma_semaphore, #tpu.memory_space<semaphore_mem>>)
    %scan3A = arith.constant 0 : i32
    %scan3A_36 = arith.constant 43 : i32
    %scan3A_37 = arith.addi %scan3A, %scan3A_36 : i32
    %scan3A_38 = arith.constant 1 : i32
    scf.for %scan3A_50 = %scan3A to %scan3A_37 step %scan3A_38  : i32 {
      %mul3A_51 = arith.constant 3 : i32
      %mul3A_52 = arith.muli %scan3A_50, %mul3A_51 : i32
      %add3A_53 = arith.constant 0 : i32
      %add3A_54 = arith.addi %add3A_53, %mul3A_52 : i32
      %add3A_55 = arith.constant 0 : i32
      %add3A_56 = arith.addi %add3A_54, %add3A_55 : i32
      %ge3A = arith.constant 1 : i32
      %ge3A_57 = arith.cmpi sge, %add3A_56, %ge3A : i32
      %convert_element_type3A = arith.extui %ge3A_57 : i1 to i32
      %cond3A = arith.constant 0 : i32
      %cond3A_58 = arith.cmpi ne, %convert_element_type3A, %cond3A : i32
      scf.if %cond3A_58 {
        %dma_wait3A_165 = arith.constant 0 : i32
        %dma_wait3A_166 = arith.constant 0 : i32
        %dma_wait3A_167 = tpu.memref_slice %arg23[%dma_wait3A_165, %dma_wait3A_166] : memref<10240x128xf32, #tpu.memory_space<vmem_shared>> -> memref<80x128xf32, #tpu.memory_space<vmem_shared>>
        %dma_wait3A_168 = arith.constant 0 : i32
        %dma_wait3A_169 = arith.constant 0 : i32
        %dma_wait3A_170 = tpu.memref_slice %arg23[%dma_wait3A_168, %dma_wait3A_169] : memref<10240x128xf32, #tpu.memory_space<vmem_shared>> -> memref<80x128xf32, #tpu.memory_space<vmem_shared>>
        tpu.wait_dma2 semaphore(%arg19 : memref<!tpu.dma_semaphore, #tpu.memory_space<semaphore_mem>>) src(%arg13 : memref<80x128xf32, #tpu.memory_space<vmem>>) dst(%dma_wait3A_170 : memref<80x128xf32, #tpu.memory_space<vmem_shared>>)
      } else {
      }
      %add3A_59 = arith.constant 2 : i32
      %add3A_60 = arith.addi %add3A_56, %add3A_59 : i32
      %lt3A = arith.constant 129 : i32
      %lt3A_61 = arith.cmpi slt, %add3A_60, %lt3A : i32
      %convert_element_type3A_62 = arith.extui %lt3A_61 : i1 to i32
      %cond3A_63 = arith.constant 0 : i32
      %cond3A_64 = arith.cmpi ne, %convert_element_type3A_62, %cond3A_63 : i32
      scf.if %cond3A_64 {
        %add3A_165 = arith.constant 2 : i32
        %add3A_166 = arith.addi %add3A_56, %add3A_165 : i32
        %mul3A_167 = arith.constant 80 : i32
        %mul3A_168 = arith.muli %add3A_166, %mul3A_167 : i32
        %add3A_169 = arith.addi %mul3A_4, %mul3A_168 : i32
        %dma_start3A_170 = arith.constant 0 : i32
        %dma_start3A_171 = arith.constant 0 : i32
        %dma_start3A_172 = tpu.memref_slice %arg10[%dma_start3A_170, %dma_start3A_171] : memref<1x80xi32, #tpu.memory_space<vmem>> -> memref<1x80xi32, #tpu.memory_space<vmem>>
        %dma_start3A_173 = tpu.memref_squeeze %dma_start3A_172 : memref<1x80xi32, #tpu.memory_space<vmem>> -> memref<80xi32, #tpu.memory_space<vmem>>
        %dma_start3A_174 = tpu.memref_slice %arg4[%add3A_169] : memref<330240xi32, #tpu.memory_space<hbm>> -> memref<80xi32, #tpu.memory_space<hbm>>
        %dma_start3A_175 = arith.constant 0 : i32
        %dma_start3A_176 = tpu.memref_slice %arg10[%dma_start3A_170, %dma_start3A_175] : memref<1x80xi32, #tpu.memory_space<vmem>> -> memref<1x80xi32, #tpu.memory_space<vmem>>
        %dma_start3A_177 = tpu.memref_squeeze %dma_start3A_176 : memref<1x80xi32, #tpu.memory_space<vmem>> -> memref<80xi32, #tpu.memory_space<vmem>>
        %dma_start3A_178 = tpu.memref_slice %arg4[%add3A_169] : memref<330240xi32, #tpu.memory_space<hbm>> -> memref<80xi32, #tpu.memory_space<hbm>>
        tpu.enqueue_dma source(%dma_start3A_178 : memref<80xi32, #tpu.memory_space<hbm>>) target(%dma_start3A_177 : memref<80xi32, #tpu.memory_space<vmem>>) target_semaphore(%arg22 : memref<!tpu.dma_semaphore, #tpu.memory_space<semaphore_mem>>)
        %add3A_179 = arith.constant 2 : i32
        %add3A_180 = arith.addi %add3A_56, %add3A_179 : i32
        %mul3A_181 = arith.constant 80 : i32
        %mul3A_182 = arith.muli %add3A_180, %mul3A_181 : i32
        %dma_start3A_183 = tpu.memref_slice %arg7[%mul3A_182] : memref<10320xi32, #tpu.memory_space<vmem>> -> memref<80xi32, #tpu.memory_space<vmem>>
        %dma_start3A_184 = arith.constant 0 : i32
        %dma_start3A_185 = arith.constant 0 : i32
        %dma_start3A_186 = tpu.memref_slice %arg2[%dma_start3A_184, %dma_start3A_185] : memref<10240x128xf32, #tpu.memory_space<hbm>> -> memref<10240x128xf32, #tpu.memory_space<hbm>>
        tpu.enqueue_indirect_dma source(%dma_start3A_186 : memref<10240x128xf32, #tpu.memory_space<hbm>>) target(%arg13 : memref<80x128xf32, #tpu.memory_space<vmem>>) offsets(%dma_start3A_183 : memref<80xi32, #tpu.memory_space<vmem>>) semaphore(%arg16 : memref<!tpu.dma_semaphore, #tpu.memory_space<semaphore_mem>>)
      } else {
      }
      %dma_wait3A_65 = arith.constant 0 : i32
      %dma_wait3A_66 = arith.constant 0 : i32
      %dma_wait3A_67 = tpu.memref_slice %arg2[%dma_wait3A_65, %dma_wait3A_66] : memref<10240x128xf32, #tpu.memory_space<hbm>> -> memref<80x128xf32, #tpu.memory_space<hbm>>
      %dma_wait3A_68 = arith.constant 0 : i32
      %dma_wait3A_69 = arith.constant 0 : i32
      %dma_wait3A_70 = tpu.memref_slice %arg2[%dma_wait3A_68, %dma_wait3A_69] : memref<10240x128xf32, #tpu.memory_space<hbm>> -> memref<80x128xf32, #tpu.memory_space<hbm>>
      tpu.wait_dma2 semaphore(%arg14 : memref<!tpu.dma_semaphore, #tpu.memory_space<semaphore_mem>>) src(%dma_wait3A_70 : memref<80x128xf32, #tpu.memory_space<hbm>>) dst(%arg11 : memref<80x128xf32, #tpu.memory_space<vmem>>)
      %dma_wait3A_71 = arith.constant 0 : i32
      %dma_wait3A_72 = arith.constant 0 : i32
      %dma_wait3A_73 = tpu.memref_slice %arg8[%dma_wait3A_71, %dma_wait3A_72] : memref<1x80xi32, #tpu.memory_space<vmem>> -> memref<1x80xi32, #tpu.memory_space<vmem>>
      %dma_wait3A_74 = tpu.memref_squeeze %dma_wait3A_73 : memref<1x80xi32, #tpu.memory_space<vmem>> -> memref<80xi32, #tpu.memory_space<vmem>>
      %dma_wait3A_75 = arith.constant 0 : i32
      %dma_wait3A_76 = tpu.memref_slice %arg4[%dma_wait3A_75] : memref<330240xi32, #tpu.memory_space<hbm>> -> memref<80xi32, #tpu.memory_space<hbm>>
      %dma_wait3A_77 = arith.constant 0 : i32
      %dma_wait3A_78 = tpu.memref_slice %arg8[%dma_wait3A_71, %dma_wait3A_77] : memref<1x80xi32, #tpu.memory_space<vmem>> -> memref<1x80xi32, #tpu.memory_space<vmem>>
      %dma_wait3A_79 = tpu.memref_squeeze %dma_wait3A_78 : memref<1x80xi32, #tpu.memory_space<vmem>> -> memref<80xi32, #tpu.memory_space<vmem>>
      %dma_wait3A_80 = arith.constant 0 : i32
      %dma_wait3A_81 = tpu.memref_slice %arg4[%dma_wait3A_80] : memref<330240xi32, #tpu.memory_space<hbm>> -> memref<80xi32, #tpu.memory_space<hbm>>
      tpu.wait_dma2 semaphore(%arg20 : memref<!tpu.dma_semaphore, #tpu.memory_space<semaphore_mem>>) src(%dma_wait3A_81 : memref<80xi32, #tpu.memory_space<hbm>>) dst(%dma_wait3A_79 : memref<80xi32, #tpu.memory_space<vmem>>)
      %dma_start3A_82 = arith.constant 0 : i32
      %dma_start3A_83 = arith.constant 0 : i32
      %dma_start3A_84 = tpu.memref_slice %arg8[%dma_start3A_82, %dma_start3A_83] : memref<1x80xi32, #tpu.memory_space<vmem>> -> memref<1x80xi32, #tpu.memory_space<vmem>>
      %dma_start3A_85 = tpu.memref_squeeze %dma_start3A_84 : memref<1x80xi32, #tpu.memory_space<vmem>> -> memref<80xi32, #tpu.memory_space<vmem>>
      %dma_start3A_86 = arith.constant 0 : i32
      %dma_start3A_87 = arith.constant 0 : i32
      %dma_start3A_88 = tpu.memref_slice %arg23[%dma_start3A_86, %dma_start3A_87] : memref<10240x128xf32, #tpu.memory_space<vmem_shared>> -> memref<10240x128xf32, #tpu.memory_space<vmem_shared>>
      tpu.enqueue_indirect_dma source(%arg11 : memref<80x128xf32, #tpu.memory_space<vmem>>) target(%dma_start3A_88 : memref<10240x128xf32, #tpu.memory_space<vmem_shared>>) offsets(%dma_start3A_85 : memref<80xi32, #tpu.memory_space<vmem>>) semaphore(%arg17 : memref<!tpu.dma_semaphore, #tpu.memory_space<semaphore_mem>>) {add = true}
      %add3A_89 = arith.constant 1 : i32
      %add3A_90 = arith.addi %add3A_54, %add3A_89 : i32
      %ge3A_91 = arith.constant 1 : i32
      %ge3A_92 = arith.cmpi sge, %add3A_90, %ge3A_91 : i32
      %convert_element_type3A_93 = arith.extui %ge3A_92 : i1 to i32
      %cond3A_94 = arith.constant 0 : i32
      %cond3A_95 = arith.cmpi ne, %convert_element_type3A_93, %cond3A_94 : i32
      scf.if %cond3A_95 {
        %dma_wait3A_165 = arith.constant 0 : i32
        %dma_wait3A_166 = arith.constant 0 : i32
        %dma_wait3A_167 = tpu.memref_slice %arg23[%dma_wait3A_165, %dma_wait3A_166] : memref<10240x128xf32, #tpu.memory_space<vmem_shared>> -> memref<80x128xf32, #tpu.memory_space<vmem_shared>>
        %dma_wait3A_168 = arith.constant 0 : i32
        %dma_wait3A_169 = arith.constant 0 : i32
        %dma_wait3A_170 = tpu.memref_slice %arg23[%dma_wait3A_168, %dma_wait3A_169] : memref<10240x128xf32, #tpu.memory_space<vmem_shared>> -> memref<80x128xf32, #tpu.memory_space<vmem_shared>>
        tpu.wait_dma2 semaphore(%arg17 : memref<!tpu.dma_semaphore, #tpu.memory_space<semaphore_mem>>) src(%arg11 : memref<80x128xf32, #tpu.memory_space<vmem>>) dst(%dma_wait3A_170 : memref<80x128xf32, #tpu.memory_space<vmem_shared>>)
      } else {
      }
      %add3A_96 = arith.constant 2 : i32
      %add3A_97 = arith.addi %add3A_90, %add3A_96 : i32
      %lt3A_98 = arith.constant 129 : i32
      %lt3A_99 = arith.cmpi slt, %add3A_97, %lt3A_98 : i32
      %convert_element_type3A_100 = arith.extui %lt3A_99 : i1 to i32
      %cond3A_101 = arith.constant 0 : i32
      %cond3A_102 = arith.cmpi ne, %convert_element_type3A_100, %cond3A_101 : i32
      scf.if %cond3A_102 {
        %add3A_165 = arith.constant 2 : i32
        %add3A_166 = arith.addi %add3A_90, %add3A_165 : i32
        %mul3A_167 = arith.constant 80 : i32
        %mul3A_168 = arith.muli %add3A_166, %mul3A_167 : i32
        %add3A_169 = arith.addi %mul3A_4, %mul3A_168 : i32
        %dma_start3A_170 = arith.constant 0 : i32
        %dma_start3A_171 = arith.constant 0 : i32
        %dma_start3A_172 = tpu.memref_slice %arg8[%dma_start3A_170, %dma_start3A_171] : memref<1x80xi32, #tpu.memory_space<vmem>> -> memref<1x80xi32, #tpu.memory_space<vmem>>
        %dma_start3A_173 = tpu.memref_squeeze %dma_start3A_172 : memref<1x80xi32, #tpu.memory_space<vmem>> -> memref<80xi32, #tpu.memory_space<vmem>>
        %dma_start3A_174 = tpu.memref_slice %arg4[%add3A_169] : memref<330240xi32, #tpu.memory_space<hbm>> -> memref<80xi32, #tpu.memory_space<hbm>>
        %dma_start3A_175 = arith.constant 0 : i32
        %dma_start3A_176 = tpu.memref_slice %arg8[%dma_start3A_170, %dma_start3A_175] : memref<1x80xi32, #tpu.memory_space<vmem>> -> memref<1x80xi32, #tpu.memory_space<vmem>>
        %dma_start3A_177 = tpu.memref_squeeze %dma_start3A_176 : memref<1x80xi32, #tpu.memory_space<vmem>> -> memref<80xi32, #tpu.memory_space<vmem>>
        %dma_start3A_178 = tpu.memref_slice %arg4[%add3A_169] : memref<330240xi32, #tpu.memory_space<hbm>> -> memref<80xi32, #tpu.memory_space<hbm>>
        tpu.enqueue_dma source(%dma_start3A_178 : memref<80xi32, #tpu.memory_space<hbm>>) target(%dma_start3A_177 : memref<80xi32, #tpu.memory_space<vmem>>) target_semaphore(%arg20 : memref<!tpu.dma_semaphore, #tpu.memory_space<semaphore_mem>>)
        %add3A_179 = arith.constant 2 : i32
        %add3A_180 = arith.addi %add3A_90, %add3A_179 : i32
        %mul3A_181 = arith.constant 80 : i32
        %mul3A_182 = arith.muli %add3A_180, %mul3A_181 : i32
        %dma_start3A_183 = tpu.memref_slice %arg7[%mul3A_182] : memref<10320xi32, #tpu.memory_space<vmem>> -> memref<80xi32, #tpu.memory_space<vmem>>
        %dma_start3A_184 = arith.constant 0 : i32
        %dma_start3A_185 = arith.constant 0 : i32
        %dma_start3A_186 = tpu.memref_slice %arg2[%dma_start3A_184, %dma_start3A_185] : memref<10240x128xf32, #tpu.memory_space<hbm>> -> memref<10240x128xf32, #tpu.memory_space<hbm>>
        tpu.enqueue_indirect_dma source(%dma_start3A_186 : memref<10240x128xf32, #tpu.memory_space<hbm>>) target(%arg11 : memref<80x128xf32, #tpu.memory_space<vmem>>) offsets(%dma_start3A_183 : memref<80xi32, #tpu.memory_space<vmem>>) semaphore(%arg14 : memref<!tpu.dma_semaphore, #tpu.memory_space<semaphore_mem>>)
      } else {
      }
      %dma_wait3A_103 = arith.constant 0 : i32
      %dma_wait3A_104 = arith.constant 0 : i32
      %dma_wait3A_105 = tpu.memref_slice %arg2[%dma_wait3A_103, %dma_wait3A_104] : memref<10240x128xf32, #tpu.memory_space<hbm>> -> memref<80x128xf32, #tpu.memory_space<hbm>>
      %dma_wait3A_106 = arith.constant 0 : i32
      %dma_wait3A_107 = arith.constant 0 : i32
      %dma_wait3A_108 = tpu.memref_slice %arg2[%dma_wait3A_106, %dma_wait3A_107] : memref<10240x128xf32, #tpu.memory_space<hbm>> -> memref<80x128xf32, #tpu.memory_space<hbm>>
      tpu.wait_dma2 semaphore(%arg15 : memref<!tpu.dma_semaphore, #tpu.memory_space<semaphore_mem>>) src(%dma_wait3A_108 : memref<80x128xf32, #tpu.memory_space<hbm>>) dst(%arg12 : memref<80x128xf32, #tpu.memory_space<vmem>>)
      %dma_wait3A_109 = arith.constant 0 : i32
      %dma_wait3A_110 = arith.constant 0 : i32
      %dma_wait3A_111 = tpu.memref_slice %arg9[%dma_wait3A_109, %dma_wait3A_110] : memref<1x80xi32, #tpu.memory_space<vmem>> -> memref<1x80xi32, #tpu.memory_space<vmem>>
      %dma_wait3A_112 = tpu.memref_squeeze %dma_wait3A_111 : memref<1x80xi32, #tpu.memory_space<vmem>> -> memref<80xi32, #tpu.memory_space<vmem>>
      %dma_wait3A_113 = arith.constant 0 : i32
      %dma_wait3A_114 = tpu.memref_slice %arg4[%dma_wait3A_113] : memref<330240xi32, #tpu.memory_space<hbm>> -> memref<80xi32, #tpu.memory_space<hbm>>
      %dma_wait3A_115 = arith.constant 0 : i32
      %dma_wait3A_116 = tpu.memref_slice %arg9[%dma_wait3A_109, %dma_wait3A_115] : memref<1x80xi32, #tpu.memory_space<vmem>> -> memref<1x80xi32, #tpu.memory_space<vmem>>
      %dma_wait3A_117 = tpu.memref_squeeze %dma_wait3A_116 : memref<1x80xi32, #tpu.memory_space<vmem>> -> memref<80xi32, #tpu.memory_space<vmem>>
      %dma_wait3A_118 = arith.constant 0 : i32
      %dma_wait3A_119 = tpu.memref_slice %arg4[%dma_wait3A_118] : memref<330240xi32, #tpu.memory_space<hbm>> -> memref<80xi32, #tpu.memory_space<hbm>>
      tpu.wait_dma2 semaphore(%arg21 : memref<!tpu.dma_semaphore, #tpu.memory_space<semaphore_mem>>) src(%dma_wait3A_119 : memref<80xi32, #tpu.memory_space<hbm>>) dst(%dma_wait3A_117 : memref<80xi32, #tpu.memory_space<vmem>>)
      %dma_start3A_120 = arith.constant 0 : i32
      %dma_start3A_121 = arith.constant 0 : i32
      %dma_start3A_122 = tpu.memref_slice %arg9[%dma_start3A_120, %dma_start3A_121] : memref<1x80xi32, #tpu.memory_space<vmem>> -> memref<1x80xi32, #tpu.memory_space<vmem>>
      %dma_start3A_123 = tpu.memref_squeeze %dma_start3A_122 : memref<1x80xi32, #tpu.memory_space<vmem>> -> memref<80xi32, #tpu.memory_space<vmem>>
      %dma_start3A_124 = arith.constant 0 : i32
      %dma_start3A_125 = arith.constant 0 : i32
      %dma_start3A_126 = tpu.memref_slice %arg23[%dma_start3A_124, %dma_start3A_125] : memref<10240x128xf32, #tpu.memory_space<vmem_shared>> -> memref<10240x128xf32, #tpu.memory_space<vmem_shared>>
      tpu.enqueue_indirect_dma source(%arg12 : memref<80x128xf32, #tpu.memory_space<vmem>>) target(%dma_start3A_126 : memref<10240x128xf32, #tpu.memory_space<vmem_shared>>) offsets(%dma_start3A_123 : memref<80xi32, #tpu.memory_space<vmem>>) semaphore(%arg18 : memref<!tpu.dma_semaphore, #tpu.memory_space<semaphore_mem>>) {add = true}
      %add3A_127 = arith.constant 2 : i32
      %add3A_128 = arith.addi %add3A_54, %add3A_127 : i32
      %ge3A_129 = arith.constant 1 : i32
      %ge3A_130 = arith.cmpi sge, %add3A_128, %ge3A_129 : i32
      %convert_element_type3A_131 = arith.extui %ge3A_130 : i1 to i32
      %cond3A_132 = arith.constant 0 : i32
      %cond3A_133 = arith.cmpi ne, %convert_element_type3A_131, %cond3A_132 : i32
      scf.if %cond3A_133 {
        %dma_wait3A_165 = arith.constant 0 : i32
        %dma_wait3A_166 = arith.constant 0 : i32
        %dma_wait3A_167 = tpu.memref_slice %arg23[%dma_wait3A_165, %dma_wait3A_166] : memref<10240x128xf32, #tpu.memory_space<vmem_shared>> -> memref<80x128xf32, #tpu.memory_space<vmem_shared>>
        %dma_wait3A_168 = arith.constant 0 : i32
        %dma_wait3A_169 = arith.constant 0 : i32
        %dma_wait3A_170 = tpu.memref_slice %arg23[%dma_wait3A_168, %dma_wait3A_169] : memref<10240x128xf32, #tpu.memory_space<vmem_shared>> -> memref<80x128xf32, #tpu.memory_space<vmem_shared>>
        tpu.wait_dma2 semaphore(%arg18 : memref<!tpu.dma_semaphore, #tpu.memory_space<semaphore_mem>>) src(%arg12 : memref<80x128xf32, #tpu.memory_space<vmem>>) dst(%dma_wait3A_170 : memref<80x128xf32, #tpu.memory_space<vmem_shared>>)
      } else {
      }
      %add3A_134 = arith.constant 2 : i32
      %add3A_135 = arith.addi %add3A_128, %add3A_134 : i32
      %lt3A_136 = arith.constant 129 : i32
      %lt3A_137 = arith.cmpi slt, %add3A_135, %lt3A_136 : i32
      %convert_element_type3A_138 = arith.extui %lt3A_137 : i1 to i32
      %cond3A_139 = arith.constant 0 : i32
      %cond3A_140 = arith.cmpi ne, %convert_element_type3A_138, %cond3A_139 : i32
      scf.if %cond3A_140 {
        %add3A_165 = arith.constant 2 : i32
        %add3A_166 = arith.addi %add3A_128, %add3A_165 : i32
        %mul3A_167 = arith.constant 80 : i32
        %mul3A_168 = arith.muli %add3A_166, %mul3A_167 : i32
        %add3A_169 = arith.addi %mul3A_4, %mul3A_168 : i32
        %dma_start3A_170 = arith.constant 0 : i32
        %dma_start3A_171 = arith.constant 0 : i32
        %dma_start3A_172 = tpu.memref_slice %arg9[%dma_start3A_170, %dma_start3A_171] : memref<1x80xi32, #tpu.memory_space<vmem>> -> memref<1x80xi32, #tpu.memory_space<vmem>>
        %dma_start3A_173 = tpu.memref_squeeze %dma_start3A_172 : memref<1x80xi32, #tpu.memory_space<vmem>> -> memref<80xi32, #tpu.memory_space<vmem>>
        %dma_start3A_174 = tpu.memref_slice %arg4[%add3A_169] : memref<330240xi32, #tpu.memory_space<hbm>> -> memref<80xi32, #tpu.memory_space<hbm>>
        %dma_start3A_175 = arith.constant 0 : i32
        %dma_start3A_176 = tpu.memref_slice %arg9[%dma_start3A_170, %dma_start3A_175] : memref<1x80xi32, #tpu.memory_space<vmem>> -> memref<1x80xi32, #tpu.memory_space<vmem>>
        %dma_start3A_177 = tpu.memref_squeeze %dma_start3A_176 : memref<1x80xi32, #tpu.memory_space<vmem>> -> memref<80xi32, #tpu.memory_space<vmem>>
        %dma_start3A_178 = tpu.memref_slice %arg4[%add3A_169] : memref<330240xi32, #tpu.memory_space<hbm>> -> memref<80xi32, #tpu.memory_space<hbm>>
        tpu.enqueue_dma source(%dma_start3A_178 : memref<80xi32, #tpu.memory_space<hbm>>) target(%dma_start3A_177 : memref<80xi32, #tpu.memory_space<vmem>>) target_semaphore(%arg21 : memref<!tpu.dma_semaphore, #tpu.memory_space<semaphore_mem>>)
        %add3A_179 = arith.constant 2 : i32
        %add3A_180 = arith.addi %add3A_128, %add3A_179 : i32
        %mul3A_181 = arith.constant 80 : i32
        %mul3A_182 = arith.muli %add3A_180, %mul3A_181 : i32
        %dma_start3A_183 = tpu.memref_slice %arg7[%mul3A_182] : memref<10320xi32, #tpu.memory_space<vmem>> -> memref<80xi32, #tpu.memory_space<vmem>>
        %dma_start3A_184 = arith.constant 0 : i32
        %dma_start3A_185 = arith.constant 0 : i32
        %dma_start3A_186 = tpu.memref_slice %arg2[%dma_start3A_184, %dma_start3A_185] : memref<10240x128xf32, #tpu.memory_space<hbm>> -> memref<10240x128xf32, #tpu.memory_space<hbm>>
        tpu.enqueue_indirect_dma source(%dma_start3A_186 : memref<10240x128xf32, #tpu.memory_space<hbm>>) target(%arg12 : memref<80x128xf32, #tpu.memory_space<vmem>>) offsets(%dma_start3A_183 : memref<80xi32, #tpu.memory_space<vmem>>) semaphore(%arg15 : memref<!tpu.dma_semaphore, #tpu.memory_space<semaphore_mem>>)
      } else {
      }
      %dma_wait3A_141 = arith.constant 0 : i32
      %dma_wait3A_142 = arith.constant 0 : i32
      %dma_wait3A_143 = tpu.memref_slice %arg2[%dma_wait3A_141, %dma_wait3A_142] : memref<10240x128xf32, #tpu.memory_space<hbm>> -> memref<80x128xf32, #tpu.memory_space<hbm>>
      %dma_wait3A_144 = arith.constant 0 : i32
      %dma_wait3A_145 = arith.constant 0 : i32
      %dma_wait3A_146 = tpu.memref_slice %arg2[%dma_wait3A_144, %dma_wait3A_145] : memref<10240x128xf32, #tpu.memory_space<hbm>> -> memref<80x128xf32, #tpu.memory_space<hbm>>
      tpu.wait_dma2 semaphore(%arg16 : memref<!tpu.dma_semaphore, #tpu.memory_space<semaphore_mem>>) src(%dma_wait3A_146 : memref<80x128xf32, #tpu.memory_space<hbm>>) dst(%arg13 : memref<80x128xf32, #tpu.memory_space<vmem>>)
      %dma_wait3A_147 = arith.constant 0 : i32
      %dma_wait3A_148 = arith.constant 0 : i32
      %dma_wait3A_149 = tpu.memref_slice %arg10[%dma_wait3A_147, %dma_wait3A_148] : memref<1x80xi32, #tpu.memory_space<vmem>> -> memref<1x80xi32, #tpu.memory_space<vmem>>
      %dma_wait3A_150 = tpu.memref_squeeze %dma_wait3A_149 : memref<1x80xi32, #tpu.memory_space<vmem>> -> memref<80xi32, #tpu.memory_space<vmem>>
      %dma_wait3A_151 = arith.constant 0 : i32
      %dma_wait3A_152 = tpu.memref_slice %arg4[%dma_wait3A_151] : memref<330240xi32, #tpu.memory_space<hbm>> -> memref<80xi32, #tpu.memory_space<hbm>>
      %dma_wait3A_153 = arith.constant 0 : i32
      %dma_wait3A_154 = tpu.memref_slice %arg10[%dma_wait3A_147, %dma_wait3A_153] : memref<1x80xi32, #tpu.memory_space<vmem>> -> memref<1x80xi32, #tpu.memory_space<vmem>>
      %dma_wait3A_155 = tpu.memref_squeeze %dma_wait3A_154 : memref<1x80xi32, #tpu.memory_space<vmem>> -> memref<80xi32, #tpu.memory_space<vmem>>
      %dma_wait3A_156 = arith.constant 0 : i32
      %dma_wait3A_157 = tpu.memref_slice %arg4[%dma_wait3A_156] : memref<330240xi32, #tpu.memory_space<hbm>> -> memref<80xi32, #tpu.memory_space<hbm>>
      tpu.wait_dma2 semaphore(%arg22 : memref<!tpu.dma_semaphore, #tpu.memory_space<semaphore_mem>>) src(%dma_wait3A_157 : memref<80xi32, #tpu.memory_space<hbm>>) dst(%dma_wait3A_155 : memref<80xi32, #tpu.memory_space<vmem>>)
      %dma_start3A_158 = arith.constant 0 : i32
      %dma_start3A_159 = arith.constant 0 : i32
      %dma_start3A_160 = tpu.memref_slice %arg10[%dma_start3A_158, %dma_start3A_159] : memref<1x80xi32, #tpu.memory_space<vmem>> -> memref<1x80xi32, #tpu.memory_space<vmem>>
      %dma_start3A_161 = tpu.memref_squeeze %dma_start3A_160 : memref<1x80xi32, #tpu.memory_space<vmem>> -> memref<80xi32, #tpu.memory_space<vmem>>
      %dma_start3A_162 = arith.constant 0 : i32
      %dma_start3A_163 = arith.constant 0 : i32
      %dma_start3A_164 = tpu.memref_slice %arg23[%dma_start3A_162, %dma_start3A_163] : memref<10240x128xf32, #tpu.memory_space<vmem_shared>> -> memref<10240x128xf32, #tpu.memory_space<vmem_shared>>
      tpu.enqueue_indirect_dma source(%arg13 : memref<80x128xf32, #tpu.memory_space<vmem>>) target(%dma_start3A_164 : memref<10240x128xf32, #tpu.memory_space<vmem_shared>>) offsets(%dma_start3A_161 : memref<80xi32, #tpu.memory_space<vmem>>) semaphore(%arg19 : memref<!tpu.dma_semaphore, #tpu.memory_space<semaphore_mem>>) {add = true}
    }
    %scan3A_39 = arith.constant 43 : i32
    %dma_wait3A = arith.constant 0 : i32
    %dma_wait3A_40 = arith.constant 0 : i32
    %dma_wait3A_41 = tpu.memref_slice %arg23[%dma_wait3A, %dma_wait3A_40] : memref<10240x128xf32, #tpu.memory_space<vmem_shared>> -> memref<80x128xf32, #tpu.memory_space<vmem_shared>>
    %dma_wait3A_42 = arith.constant 0 : i32
    %dma_wait3A_43 = arith.constant 0 : i32
    %dma_wait3A_44 = tpu.memref_slice %arg23[%dma_wait3A_42, %dma_wait3A_43] : memref<10240x128xf32, #tpu.memory_space<vmem_shared>> -> memref<80x128xf32, #tpu.memory_space<vmem_shared>>
    tpu.wait_dma2 semaphore(%arg19 : memref<!tpu.dma_semaphore, #tpu.memory_space<semaphore_mem>>) src(%arg13 : memref<80x128xf32, #tpu.memory_space<vmem>>) dst(%dma_wait3A_44 : memref<80x128xf32, #tpu.memory_space<vmem_shared>>)
    %barrier3A_45 = arith.constant 0 : index
    tpu.barrier barrier_id(%barrier3A_45)
    %mul3A_46 = arith.constant 640 : i32
    %mul3A_47 = arith.muli %arg1, %mul3A_46 : i32
    %mul3A_48 = arith.constant 640 : i32
    %mul3A_49 = arith.muli %arg1, %mul3A_48 : i32
    "tpu.region"() ({
      %run_scoped3A = tpu.sem_alloc : memref<!tpu.dma_semaphore, #tpu.memory_space<semaphore_mem>>
      %dma_start3A_50 = arith.constant 0 : i32
      %dma_start3A_51 = tpu.memref_slice %arg6[%arg0, %mul3A_49, %dma_start3A_50] : memref<2x10240x128xf32, #tpu.memory_space<hbm>> -> memref<1x640x128xf32, #tpu.memory_space<hbm>>
      %dma_start3A_52 = tpu.memref_squeeze %dma_start3A_51 : memref<1x640x128xf32, #tpu.memory_space<hbm>> -> memref<640x128xf32, #tpu.memory_space<hbm>>
      %dma_start3A_53 = arith.constant 0 : i32
      %dma_start3A_54 = tpu.memref_slice %arg23[%mul3A_47, %dma_start3A_53] : memref<10240x128xf32, #tpu.memory_space<vmem_shared>> -> memref<640x128xf32, #tpu.memory_space<vmem_shared>>
      tpu.enqueue_dma source(%dma_start3A_54 : memref<640x128xf32, #tpu.memory_space<vmem_shared>>) target(%dma_start3A_52 : memref<640x128xf32, #tpu.memory_space<hbm>>) target_semaphore(%run_scoped3A : memref<!tpu.dma_semaphore, #tpu.memory_space<semaphore_mem>>)
      %dma_wait3A_55 = arith.constant 0 : i32
      %dma_wait3A_56 = tpu.memref_slice %arg6[%arg0, %mul3A_49, %dma_wait3A_55] : memref<2x10240x128xf32, #tpu.memory_space<hbm>> -> memref<1x640x128xf32, #tpu.memory_space<hbm>>
      %dma_wait3A_57 = tpu.memref_squeeze %dma_wait3A_56 : memref<1x640x128xf32, #tpu.memory_space<hbm>> -> memref<640x128xf32, #tpu.memory_space<hbm>>
      %dma_wait3A_58 = arith.constant 0 : i32
      %dma_wait3A_59 = tpu.memref_slice %arg23[%mul3A_47, %dma_wait3A_58] : memref<10240x128xf32, #tpu.memory_space<vmem_shared>> -> memref<640x128xf32, #tpu.memory_space<vmem_shared>>
      tpu.wait_dma2 semaphore(%run_scoped3A : memref<!tpu.dma_semaphore, #tpu.memory_space<semaphore_mem>>) src(%dma_wait3A_59 : memref<640x128xf32, #tpu.memory_space<vmem_shared>>) dst(%dma_wait3A_57 : memref<640x128xf32, #tpu.memory_space<hbm>>)
      tpu.yield
    }) : () -> ()
    return
  }
}

#map = affine_map<(d0, d1) -> (0, 0, 0)>
#map1 = affine_map<(d0, d1) -> (0, 0)>
module attributes {stable_mosaic.version = 14 : i64} {
  func.func @k(%arg0: i32, %arg1: i32, %arg2: memref<32x106x96xi32, #tpu.memory_space<hbm>>, %arg3: memref<96x16xf32, #tpu.memory_space<hbm>>, %arg4: memref<640x16xf32, #tpu.memory_space<hbm>>, %arg5: memref<2x10240x16xf32, #tpu.memory_space<hbm>>, %arg6: memref<106x96xi32, #tpu.memory_space<vmem>>, %arg7: memref<96x16xf32, #tpu.memory_space<vmem>>, %arg8: memref<!tpu.dma_semaphore, #tpu.memory_space<semaphore_mem>>, %arg9: memref<10240x16xf32, #tpu.memory_space<vmem_shared>>) attributes {dimension_semantics = [#tpu.dimension_semantics<core_parallel>, #tpu.dimension_semantics<subcore_parallel>], iteration_bounds = array<i64: 2, 16>, scalar_prefetch = 0 : i64, scratch_operands = 4 : i64, tpu.core_type = #tpu.core_type<sc_vector_subcore>, window_params = [{transform_indices = #map}, {transform_indices = #map1}, {transform_indices = #map1}, {transform_indices = #map}]} {
    %mul3A = arith.constant 16 : i32
    %mul3A_0 = arith.muli %arg0, %mul3A : i32
    %add3A = arith.addi %mul3A_0, %arg1 : i32
    "tpu.region"() ({
      %run_scoped3A = tpu.sem_alloc : memref<!tpu.dma_semaphore, #tpu.memory_space<semaphore_mem>>
      tpu.enqueue_dma source(%arg3 : memref<96x16xf32, #tpu.memory_space<hbm>>) target(%arg7 : memref<96x16xf32, #tpu.memory_space<vmem>>) target_semaphore(%run_scoped3A : memref<!tpu.dma_semaphore, #tpu.memory_space<semaphore_mem>>)
      tpu.wait_dma2 semaphore(%run_scoped3A : memref<!tpu.dma_semaphore, #tpu.memory_space<semaphore_mem>>) src(%arg3 : memref<96x16xf32, #tpu.memory_space<hbm>>) dst(%arg7 : memref<96x16xf32, #tpu.memory_space<vmem>>)
      tpu.yield
    }) : () -> ()
    "tpu.region"() ({
      %run_scoped3A = tpu.sem_alloc : memref<!tpu.dma_semaphore, #tpu.memory_space<semaphore_mem>>
      %dma_start3A = arith.constant 0 : i32
      %dma_start3A_12 = arith.constant 0 : i32
      %dma_start3A_13 = tpu.memref_slice %arg2[%add3A, %dma_start3A, %dma_start3A_12] : memref<32x106x96xi32, #tpu.memory_space<hbm>> -> memref<1x106x96xi32, #tpu.memory_space<hbm>>
      %dma_start3A_14 = tpu.memref_squeeze %dma_start3A_13 : memref<1x106x96xi32, #tpu.memory_space<hbm>> -> memref<106x96xi32, #tpu.memory_space<hbm>>
      %dma_start3A_15 = arith.constant 0 : i32
      %dma_start3A_16 = arith.constant 0 : i32
      %dma_start3A_17 = tpu.memref_slice %arg2[%add3A, %dma_start3A_15, %dma_start3A_16] : memref<32x106x96xi32, #tpu.memory_space<hbm>> -> memref<1x106x96xi32, #tpu.memory_space<hbm>>
      %dma_start3A_18 = tpu.memref_squeeze %dma_start3A_17 : memref<1x106x96xi32, #tpu.memory_space<hbm>> -> memref<106x96xi32, #tpu.memory_space<hbm>>
      tpu.enqueue_dma source(%dma_start3A_18 : memref<106x96xi32, #tpu.memory_space<hbm>>) target(%arg6 : memref<106x96xi32, #tpu.memory_space<vmem>>) target_semaphore(%run_scoped3A : memref<!tpu.dma_semaphore, #tpu.memory_space<semaphore_mem>>)
      %dma_wait3A = arith.constant 0 : i32
      %dma_wait3A_19 = arith.constant 0 : i32
      %dma_wait3A_20 = tpu.memref_slice %arg2[%add3A, %dma_wait3A, %dma_wait3A_19] : memref<32x106x96xi32, #tpu.memory_space<hbm>> -> memref<1x106x96xi32, #tpu.memory_space<hbm>>
      %dma_wait3A_21 = tpu.memref_squeeze %dma_wait3A_20 : memref<1x106x96xi32, #tpu.memory_space<hbm>> -> memref<106x96xi32, #tpu.memory_space<hbm>>
      %dma_wait3A_22 = arith.constant 0 : i32
      %dma_wait3A_23 = arith.constant 0 : i32
      %dma_wait3A_24 = tpu.memref_slice %arg2[%add3A, %dma_wait3A_22, %dma_wait3A_23] : memref<32x106x96xi32, #tpu.memory_space<hbm>> -> memref<1x106x96xi32, #tpu.memory_space<hbm>>
      %dma_wait3A_25 = tpu.memref_squeeze %dma_wait3A_24 : memref<1x106x96xi32, #tpu.memory_space<hbm>> -> memref<106x96xi32, #tpu.memory_space<hbm>>
      tpu.wait_dma2 semaphore(%run_scoped3A : memref<!tpu.dma_semaphore, #tpu.memory_space<semaphore_mem>>) src(%dma_wait3A_25 : memref<106x96xi32, #tpu.memory_space<hbm>>) dst(%arg6 : memref<106x96xi32, #tpu.memory_space<vmem>>)
      tpu.yield
    }) : () -> ()
    %mul3A_1 = arith.constant 640 : i32
    %mul3A_2 = arith.muli %arg1, %mul3A_1 : i32
    "tpu.region"() ({
      %run_scoped3A = tpu.sem_alloc : memref<!tpu.dma_semaphore, #tpu.memory_space<semaphore_mem>>
      %dma_start3A = arith.constant 0 : i32
      %dma_start3A_12 = tpu.memref_slice %arg9[%mul3A_2, %dma_start3A] : memref<10240x16xf32, #tpu.memory_space<vmem_shared>> -> memref<640x16xf32, #tpu.memory_space<vmem_shared>>
      tpu.enqueue_dma source(%arg4 : memref<640x16xf32, #tpu.memory_space<hbm>>) target(%dma_start3A_12 : memref<640x16xf32, #tpu.memory_space<vmem_shared>>) target_semaphore(%run_scoped3A : memref<!tpu.dma_semaphore, #tpu.memory_space<semaphore_mem>>)
      %dma_wait3A = arith.constant 0 : i32
      %dma_wait3A_13 = tpu.memref_slice %arg9[%mul3A_2, %dma_wait3A] : memref<10240x16xf32, #tpu.memory_space<vmem_shared>> -> memref<640x16xf32, #tpu.memory_space<vmem_shared>>
      tpu.wait_dma2 semaphore(%run_scoped3A : memref<!tpu.dma_semaphore, #tpu.memory_space<semaphore_mem>>) src(%arg4 : memref<640x16xf32, #tpu.memory_space<hbm>>) dst(%dma_wait3A_13 : memref<640x16xf32, #tpu.memory_space<vmem_shared>>)
      tpu.yield
    }) : () -> ()
    %barrier3A = arith.constant 0 : index
    tpu.barrier barrier_id(%barrier3A)
    %scan3A = arith.constant 0 : i32
    %scan3A_3 = arith.constant 106 : i32
    %scan3A_4 = arith.addi %scan3A, %scan3A_3 : i32
    %scan3A_5 = arith.constant 1 : i32
    scf.for %scan3A_12 = %scan3A to %scan3A_4 step %scan3A_5  : i32 {
      %mul3A_13 = arith.constant 1 : i32
      %mul3A_14 = arith.muli %scan3A_12, %mul3A_13 : i32
      %add3A_15 = arith.constant 0 : i32
      %add3A_16 = arith.addi %add3A_15, %mul3A_14 : i32
      "tpu.region"() ({
        %run_scoped3A = tpu.sem_alloc : memref<!tpu.dma_semaphore, #tpu.memory_space<semaphore_mem>>
        %dma_start3A = arith.constant 0 : i32
        %dma_start3A_17 = tpu.memref_slice %arg6[%add3A_16, %dma_start3A] : memref<106x96xi32, #tpu.memory_space<vmem>> -> memref<1x96xi32, #tpu.memory_space<vmem>>
        %dma_start3A_18 = tpu.memref_squeeze %dma_start3A_17 : memref<1x96xi32, #tpu.memory_space<vmem>> -> memref<96xi32, #tpu.memory_space<vmem>>
        %dma_start3A_19 = arith.constant 0 : i32
        %dma_start3A_20 = arith.constant 0 : i32
        %dma_start3A_21 = tpu.memref_slice %arg9[%dma_start3A_19, %dma_start3A_20] : memref<10240x16xf32, #tpu.memory_space<vmem_shared>> -> memref<10240x16xf32, #tpu.memory_space<vmem_shared>>
        tpu.enqueue_indirect_dma source(%arg7 : memref<96x16xf32, #tpu.memory_space<vmem>>) target(%dma_start3A_21 : memref<10240x16xf32, #tpu.memory_space<vmem_shared>>) offsets(%dma_start3A_18 : memref<96xi32, #tpu.memory_space<vmem>>) semaphore(%run_scoped3A : memref<!tpu.dma_semaphore, #tpu.memory_space<semaphore_mem>>) {add = true}
        %dma_wait3A = arith.constant 0 : i32
        %dma_wait3A_22 = tpu.memref_slice %arg6[%add3A_16, %dma_wait3A] : memref<106x96xi32, #tpu.memory_space<vmem>> -> memref<1x96xi32, #tpu.memory_space<vmem>>
        %dma_wait3A_23 = tpu.memref_squeeze %dma_wait3A_22 : memref<1x96xi32, #tpu.memory_space<vmem>> -> memref<96xi32, #tpu.memory_space<vmem>>
        %dma_wait3A_24 = arith.constant 0 : i32
        %dma_wait3A_25 = arith.constant 0 : i32
        %dma_wait3A_26 = tpu.memref_slice %arg9[%dma_wait3A_24, %dma_wait3A_25] : memref<10240x16xf32, #tpu.memory_space<vmem_shared>> -> memref<10240x16xf32, #tpu.memory_space<vmem_shared>>
        tpu.wait_indirect_dma semaphore(%run_scoped3A : memref<!tpu.dma_semaphore, #tpu.memory_space<semaphore_mem>>) src(%arg7 : memref<96x16xf32, #tpu.memory_space<vmem>>) dst(%dma_wait3A_26 : memref<10240x16xf32, #tpu.memory_space<vmem_shared>>)
        tpu.yield
      }) : () -> ()
    }
    %scan3A_6 = arith.constant 106 : i32
    %barrier3A_7 = arith.constant 0 : index
    tpu.barrier barrier_id(%barrier3A_7)
    %mul3A_8 = arith.constant 640 : i32
    %mul3A_9 = arith.muli %arg1, %mul3A_8 : i32
    %mul3A_10 = arith.constant 640 : i32
    %mul3A_11 = arith.muli %arg1, %mul3A_10 : i32
    "tpu.region"() ({
      %run_scoped3A = tpu.sem_alloc : memref<!tpu.dma_semaphore, #tpu.memory_space<semaphore_mem>>
      %dma_start3A = arith.constant 0 : i32
      %dma_start3A_12 = tpu.memref_slice %arg5[%arg0, %mul3A_11, %dma_start3A] : memref<2x10240x16xf32, #tpu.memory_space<hbm>> -> memref<1x640x16xf32, #tpu.memory_space<hbm>>
      %dma_start3A_13 = tpu.memref_squeeze %dma_start3A_12 : memref<1x640x16xf32, #tpu.memory_space<hbm>> -> memref<640x16xf32, #tpu.memory_space<hbm>>
      %dma_start3A_14 = arith.constant 0 : i32
      %dma_start3A_15 = tpu.memref_slice %arg9[%mul3A_9, %dma_start3A_14] : memref<10240x16xf32, #tpu.memory_space<vmem_shared>> -> memref<640x16xf32, #tpu.memory_space<vmem_shared>>
      tpu.enqueue_dma source(%dma_start3A_15 : memref<640x16xf32, #tpu.memory_space<vmem_shared>>) target(%dma_start3A_13 : memref<640x16xf32, #tpu.memory_space<hbm>>) target_semaphore(%run_scoped3A : memref<!tpu.dma_semaphore, #tpu.memory_space<semaphore_mem>>)
      %dma_wait3A = arith.constant 0 : i32
      %dma_wait3A_16 = tpu.memref_slice %arg5[%arg0, %mul3A_11, %dma_wait3A] : memref<2x10240x16xf32, #tpu.memory_space<hbm>> -> memref<1x640x16xf32, #tpu.memory_space<hbm>>
      %dma_wait3A_17 = tpu.memref_squeeze %dma_wait3A_16 : memref<1x640x16xf32, #tpu.memory_space<hbm>> -> memref<640x16xf32, #tpu.memory_space<hbm>>
      %dma_wait3A_18 = arith.constant 0 : i32
      %dma_wait3A_19 = tpu.memref_slice %arg9[%mul3A_9, %dma_wait3A_18] : memref<10240x16xf32, #tpu.memory_space<vmem_shared>> -> memref<640x16xf32, #tpu.memory_space<vmem_shared>>
      tpu.wait_dma2 semaphore(%run_scoped3A : memref<!tpu.dma_semaphore, #tpu.memory_space<semaphore_mem>>) src(%dma_wait3A_19 : memref<640x16xf32, #tpu.memory_space<vmem_shared>>) dst(%dma_wait3A_17 : memref<640x16xf32, #tpu.memory_space<hbm>>)
      tpu.yield
    }) : () -> ()
    return
  }
}

#map = affine_map<(d0, d1) -> (0, 0)>
#map1 = affine_map<(d0, d1) -> (0)>
#map2 = affine_map<(d0, d1) -> (0, 0, 0)>
module attributes {stable_mosaic.version = 14 : i64} {
  func.func @k(%arg0: i32, %arg1: i32, %arg2: memref<10240x128xf32, #tpu.memory_space<hbm>>, %arg3: memref<32x10320xi32, #tpu.memory_space<hbm>>, %arg4: memref<330240xi32, #tpu.memory_space<hbm>>, %arg5: memref<640x128xf32, #tpu.memory_space<hbm>>, %arg6: memref<2x10240x128xf32, #tpu.memory_space<hbm>>, %arg7: memref<10320xi32, #tpu.memory_space<vmem>>, %arg8: memref<1x80xi32, #tpu.memory_space<vmem>>, %arg9: memref<1x80xi32, #tpu.memory_space<vmem>>, %arg10: memref<1x80xi32, #tpu.memory_space<vmem>>, %arg11: memref<80x128xf32, #tpu.memory_space<vmem>>, %arg12: memref<80x128xf32, #tpu.memory_space<vmem>>, %arg13: memref<80x128xf32, #tpu.memory_space<vmem>>, %arg14: memref<!tpu.dma_semaphore, #tpu.memory_space<semaphore_mem>>, %arg15: memref<!tpu.dma_semaphore, #tpu.memory_space<semaphore_mem>>, %arg16: memref<!tpu.dma_semaphore, #tpu.memory_space<semaphore_mem>>, %arg17: memref<!tpu.dma_semaphore, #tpu.memory_space<semaphore_mem>>, %arg18: memref<!tpu.dma_semaphore, #tpu.memory_space<semaphore_mem>>, %arg19: memref<!tpu.dma_semaphore, #tpu.memory_space<semaphore_mem>>, %arg20: memref<!tpu.dma_semaphore, #tpu.memory_space<semaphore_mem>>, %arg21: memref<!tpu.dma_semaphore, #tpu.memory_space<semaphore_mem>>, %arg22: memref<!tpu.dma_semaphore, #tpu.memory_space<semaphore_mem>>, %arg23: memref<10240x128xf32, #tpu.memory_space<vmem_shared>>) attributes {dimension_semantics = [#tpu.dimension_semantics<core_parallel>, #tpu.dimension_semantics<subcore_parallel>], iteration_bounds = array<i64: 2, 16>, scalar_prefetch = 0 : i64, scratch_operands = 17 : i64, tpu.core_type = #tpu.core_type<sc_vector_subcore>, window_params = [{transform_indices = #map}, {transform_indices = #map}, {transform_indices = #map1}, {transform_indices = #map}, {transform_indices = #map2}]} {
    %mul3A = arith.constant 16 : i32
    %mul3A_0 = arith.muli %arg0, %mul3A : i32
    %add3A = arith.addi %mul3A_0, %arg1 : i32
    "tpu.region"() ({
      %run_scoped3A = tpu.sem_alloc : memref<!tpu.dma_semaphore, #tpu.memory_space<semaphore_mem>>
      %dma_start3A_50 = arith.constant 0 : i32
      %dma_start3A_51 = tpu.memref_slice %arg3[%add3A, %dma_start3A_50] : memref<32x10320xi32, #tpu.memory_space<hbm>> -> memref<1x10320xi32, #tpu.memory_space<hbm>>
      %dma_start3A_52 = tpu.memref_squeeze %dma_start3A_51 : memref<1x10320xi32, #tpu.memory_space<hbm>> -> memref<10320xi32, #tpu.memory_space<hbm>>
      %dma_start3A_53 = arith.constant 0 : i32
      %dma_start3A_54 = tpu.memref_slice %arg3[%add3A, %dma_start3A_53] : memref<32x10320xi32, #tpu.memory_space<hbm>> -> memref<1x10320xi32, #tpu.memory_space<hbm>>
      %dma_start3A_55 = tpu.memref_squeeze %dma_start3A_54 : memref<1x10320xi32, #tpu.memory_space<hbm>> -> memref<10320xi32, #tpu.memory_space<hbm>>
      tpu.enqueue_dma source(%dma_start3A_55 : memref<10320xi32, #tpu.memory_space<hbm>>) target(%arg7 : memref<10320xi32, #tpu.memory_space<vmem>>) target_semaphore(%run_scoped3A : memref<!tpu.dma_semaphore, #tpu.memory_space<semaphore_mem>>)
      %dma_wait3A_56 = arith.constant 0 : i32
      %dma_wait3A_57 = tpu.memref_slice %arg3[%add3A, %dma_wait3A_56] : memref<32x10320xi32, #tpu.memory_space<hbm>> -> memref<1x10320xi32, #tpu.memory_space<hbm>>
      %dma_wait3A_58 = tpu.memref_squeeze %dma_wait3A_57 : memref<1x10320xi32, #tpu.memory_space<hbm>> -> memref<10320xi32, #tpu.memory_space<hbm>>
      %dma_wait3A_59 = arith.constant 0 : i32
      %dma_wait3A_60 = tpu.memref_slice %arg3[%add3A, %dma_wait3A_59] : memref<32x10320xi32, #tpu.memory_space<hbm>> -> memref<1x10320xi32, #tpu.memory_space<hbm>>
      %dma_wait3A_61 = tpu.memref_squeeze %dma_wait3A_60 : memref<1x10320xi32, #tpu.memory_space<hbm>> -> memref<10320xi32, #tpu.memory_space<hbm>>
      tpu.wait_dma2 semaphore(%run_scoped3A : memref<!tpu.dma_semaphore, #tpu.memory_space<semaphore_mem>>) src(%dma_wait3A_61 : memref<10320xi32, #tpu.memory_space<hbm>>) dst(%arg7 : memref<10320xi32, #tpu.memory_space<vmem>>)
      tpu.yield
    }) : () -> ()
    %mul3A_1 = arith.constant 640 : i32
    %mul3A_2 = arith.muli %arg1, %mul3A_1 : i32
    "tpu.region"() ({
      %run_scoped3A = tpu.sem_alloc : memref<!tpu.dma_semaphore, #tpu.memory_space<semaphore_mem>>
      %dma_start3A_50 = arith.constant 0 : i32
      %dma_start3A_51 = tpu.memref_slice %arg23[%mul3A_2, %dma_start3A_50] : memref<10240x128xf32, #tpu.memory_space<vmem_shared>> -> memref<640x128xf32, #tpu.memory_space<vmem_shared>>
      tpu.enqueue_dma source(%arg5 : memref<640x128xf32, #tpu.memory_space<hbm>>) target(%dma_start3A_51 : memref<640x128xf32, #tpu.memory_space<vmem_shared>>) target_semaphore(%run_scoped3A : memref<!tpu.dma_semaphore, #tpu.memory_space<semaphore_mem>>)
      %dma_wait3A_52 = arith.constant 0 : i32
      %dma_wait3A_53 = tpu.memref_slice %arg23[%mul3A_2, %dma_wait3A_52] : memref<10240x128xf32, #tpu.memory_space<vmem_shared>> -> memref<640x128xf32, #tpu.memory_space<vmem_shared>>
      tpu.wait_dma2 semaphore(%run_scoped3A : memref<!tpu.dma_semaphore, #tpu.memory_space<semaphore_mem>>) src(%arg5 : memref<640x128xf32, #tpu.memory_space<hbm>>) dst(%dma_wait3A_53 : memref<640x128xf32, #tpu.memory_space<vmem_shared>>)
      tpu.yield
    }) : () -> ()
    %barrier3A = arith.constant 0 : index
    tpu.barrier barrier_id(%barrier3A)
    %mul3A_3 = arith.constant 10320 : i32
    %mul3A_4 = arith.muli %add3A, %mul3A_3 : i32
    %add3A_5 = arith.constant 0 : i32
    %add3A_6 = arith.addi %mul3A_4, %add3A_5 : i32
    %dma_start3A = arith.constant 0 : i32
    %dma_start3A_7 = arith.constant 0 : i32
    %dma_start3A_8 = tpu.memref_slice %arg8[%dma_start3A, %dma_start3A_7] : memref<1x80xi32, #tpu.memory_space<vmem>> -> memref<1x80xi32, #tpu.memory_space<vmem>>
    %dma_start3A_9 = tpu.memref_squeeze %dma_start3A_8 : memref<1x80xi32, #tpu.memory_space<vmem>> -> memref<80xi32, #tpu.memory_space<vmem>>
    %dma_start3A_10 = tpu.memref_slice %arg4[%add3A_6] : memref<330240xi32, #tpu.memory_space<hbm>> -> memref<80xi32, #tpu.memory_space<hbm>>
    %dma_start3A_11 = arith.constant 0 : i32
    %dma_start3A_12 = tpu.memref_slice %arg8[%dma_start3A, %dma_start3A_11] : memref<1x80xi32, #tpu.memory_space<vmem>> -> memref<1x80xi32, #tpu.memory_space<vmem>>
    %dma_start3A_13 = tpu.memref_squeeze %dma_start3A_12 : memref<1x80xi32, #tpu.memory_space<vmem>> -> memref<80xi32, #tpu.memory_space<vmem>>
    %dma_start3A_14 = tpu.memref_slice %arg4[%add3A_6] : memref<330240xi32, #tpu.memory_space<hbm>> -> memref<80xi32, #tpu.memory_space<hbm>>
    tpu.enqueue_dma source(%dma_start3A_14 : memref<80xi32, #tpu.memory_space<hbm>>) target(%dma_start3A_13 : memref<80xi32, #tpu.memory_space<vmem>>) target_semaphore(%arg20 : memref<!tpu.dma_semaphore, #tpu.memory_space<semaphore_mem>>)
    %dma_start3A_15 = arith.constant 0 : i32
    %dma_start3A_16 = tpu.memref_slice %arg7[%dma_start3A_15] : memref<10320xi32, #tpu.memory_space<vmem>> -> memref<80xi32, #tpu.memory_space<vmem>>
    %dma_start3A_17 = arith.constant 0 : i32
    %dma_start3A_18 = arith.constant 0 : i32
    %dma_start3A_19 = tpu.memref_slice %arg2[%dma_start3A_17, %dma_start3A_18] : memref<10240x128xf32, #tpu.memory_space<hbm>> -> memref<10240x128xf32, #tpu.memory_space<hbm>>
    tpu.enqueue_indirect_dma source(%dma_start3A_19 : memref<10240x128xf32, #tpu.memory_space<hbm>>) target(%arg11 : memref<80x128xf32, #tpu.memory_space<vmem>>) offsets(%dma_start3A_16 : memref<80xi32, #tpu.memory_space<vmem>>) semaphore(%arg14 : memref<!tpu.dma_semaphore, #tpu.memory_space<semaphore_mem>>)
    %add3A_20 = arith.constant 80 : i32
    %add3A_21 = arith.addi %mul3A_4, %add3A_20 : i32
    %dma_start3A_22 = arith.constant 0 : i32
    %dma_start3A_23 = arith.constant 0 : i32
    %dma_start3A_24 = tpu.memref_slice %arg9[%dma_start3A_22, %dma_start3A_23] : memref<1x80xi32, #tpu.memory_space<vmem>> -> memref<1x80xi32, #tpu.memory_space<vmem>>
    %dma_start3A_25 = tpu.memref_squeeze %dma_start3A_24 : memref<1x80xi32, #tpu.memory_space<vmem>> -> memref<80xi32, #tpu.memory_space<vmem>>
    %dma_start3A_26 = tpu.memref_slice %arg4[%add3A_21] : memref<330240xi32, #tpu.memory_space<hbm>> -> memref<80xi32, #tpu.memory_space<hbm>>
    %dma_start3A_27 = arith.constant 0 : i32
    %dma_start3A_28 = tpu.memref_slice %arg9[%dma_start3A_22, %dma_start3A_27] : memref<1x80xi32, #tpu.memory_space<vmem>> -> memref<1x80xi32, #tpu.memory_space<vmem>>
    %dma_start3A_29 = tpu.memref_squeeze %dma_start3A_28 : memref<1x80xi32, #tpu.memory_space<vmem>> -> memref<80xi32, #tpu.memory_space<vmem>>
    %dma_start3A_30 = tpu.memref_slice %arg4[%add3A_21] : memref<330240xi32, #tpu.memory_space<hbm>> -> memref<80xi32, #tpu.memory_space<hbm>>
    tpu.enqueue_dma source(%dma_start3A_30 : memref<80xi32, #tpu.memory_space<hbm>>) target(%dma_start3A_29 : memref<80xi32, #tpu.memory_space<vmem>>) target_semaphore(%arg21 : memref<!tpu.dma_semaphore, #tpu.memory_space<semaphore_mem>>)
    %dma_start3A_31 = arith.constant 80 : i32
    %dma_start3A_32 = tpu.memref_slice %arg7[%dma_start3A_31] : memref<10320xi32, #tpu.memory_space<vmem>> -> memref<80xi32, #tpu.memory_space<vmem>>
    %dma_start3A_33 = arith.constant 0 : i32
    %dma_start3A_34 = arith.constant 0 : i32
    %dma_start3A_35 = tpu.memref_slice %arg2[%dma_start3A_33, %dma_start3A_34] : memref<10240x128xf32, #tpu.memory_space<hbm>> -> memref<10240x128xf32, #tpu.memory_space<hbm>>
    tpu.enqueue_indirect_dma source(%dma_start3A_35 : memref<10240x128xf32, #tpu.memory_space<hbm>>) target(%arg12 : memref<80x128xf32, #tpu.memory_space<vmem>>) offsets(%dma_start3A_32 : memref<80xi32, #tpu.memory_space<vmem>>) semaphore(%arg15 : memref<!tpu.dma_semaphore, #tpu.memory_space<semaphore_mem>>)
    %scan3A = arith.constant 0 : i32
    %scan3A_36 = arith.constant 43 : i32
    %scan3A_37 = arith.addi %scan3A, %scan3A_36 : i32
    %scan3A_38 = arith.constant 1 : i32
    scf.for %scan3A_50 = %scan3A to %scan3A_37 step %scan3A_38  : i32 {
      %mul3A_51 = arith.constant 3 : i32
      %mul3A_52 = arith.muli %scan3A_50, %mul3A_51 : i32
      %add3A_53 = arith.constant 0 : i32
      %add3A_54 = arith.addi %add3A_53, %mul3A_52 : i32
      %add3A_55 = arith.constant 0 : i32
      %add3A_56 = arith.addi %add3A_54, %add3A_55 : i32
      %ge3A = arith.constant 1 : i32
      %ge3A_57 = arith.cmpi sge, %add3A_56, %ge3A : i32
      %convert_element_type3A = arith.extui %ge3A_57 : i1 to i32
      %cond3A = arith.constant 0 : i32
      %cond3A_58 = arith.cmpi ne, %convert_element_type3A, %cond3A : i32
      scf.if %cond3A_58 {
        %dma_wait3A_165 = arith.constant 0 : i32
        %dma_wait3A_166 = arith.constant 0 : i32
        %dma_wait3A_167 = tpu.memref_slice %arg23[%dma_wait3A_165, %dma_wait3A_166] : memref<10240x128xf32, #tpu.memory_space<vmem_shared>> -> memref<80x128xf32, #tpu.memory_space<vmem_shared>>
        %dma_wait3A_168 = arith.constant 0 : i32
        %dma_wait3A_169 = arith.constant 0 : i32
        %dma_wait3A_170 = tpu.memref_slice %arg23[%dma_wait3A_168, %dma_wait3A_169] : memref<10240x128xf32, #tpu.memory_space<vmem_shared>> -> memref<80x128xf32, #tpu.memory_space<vmem_shared>>
        tpu.wait_dma2 semaphore(%arg19 : memref<!tpu.dma_semaphore, #tpu.memory_space<semaphore_mem>>) src(%arg13 : memref<80x128xf32, #tpu.memory_space<vmem>>) dst(%dma_wait3A_170 : memref<80x128xf32, #tpu.memory_space<vmem_shared>>)
      } else {
      }
      %add3A_59 = arith.constant 2 : i32
      %add3A_60 = arith.addi %add3A_56, %add3A_59 : i32
      %lt3A = arith.constant 129 : i32
      %lt3A_61 = arith.cmpi slt, %add3A_60, %lt3A : i32
      %convert_element_type3A_62 = arith.extui %lt3A_61 : i1 to i32
      %cond3A_63 = arith.constant 0 : i32
      %cond3A_64 = arith.cmpi ne, %convert_element_type3A_62, %cond3A_63 : i32
      scf.if %cond3A_64 {
        %add3A_165 = arith.constant 2 : i32
        %add3A_166 = arith.addi %add3A_56, %add3A_165 : i32
        %mul3A_167 = arith.constant 80 : i32
        %mul3A_168 = arith.muli %add3A_166, %mul3A_167 : i32
        %add3A_169 = arith.addi %mul3A_4, %mul3A_168 : i32
        %dma_start3A_170 = arith.constant 0 : i32
        %dma_start3A_171 = arith.constant 0 : i32
        %dma_start3A_172 = tpu.memref_slice %arg10[%dma_start3A_170, %dma_start3A_171] : memref<1x80xi32, #tpu.memory_space<vmem>> -> memref<1x80xi32, #tpu.memory_space<vmem>>
        %dma_start3A_173 = tpu.memref_squeeze %dma_start3A_172 : memref<1x80xi32, #tpu.memory_space<vmem>> -> memref<80xi32, #tpu.memory_space<vmem>>
        %dma_start3A_174 = tpu.memref_slice %arg4[%add3A_169] : memref<330240xi32, #tpu.memory_space<hbm>> -> memref<80xi32, #tpu.memory_space<hbm>>
        %dma_start3A_175 = arith.constant 0 : i32
        %dma_start3A_176 = tpu.memref_slice %arg10[%dma_start3A_170, %dma_start3A_175] : memref<1x80xi32, #tpu.memory_space<vmem>> -> memref<1x80xi32, #tpu.memory_space<vmem>>
        %dma_start3A_177 = tpu.memref_squeeze %dma_start3A_176 : memref<1x80xi32, #tpu.memory_space<vmem>> -> memref<80xi32, #tpu.memory_space<vmem>>
        %dma_start3A_178 = tpu.memref_slice %arg4[%add3A_169] : memref<330240xi32, #tpu.memory_space<hbm>> -> memref<80xi32, #tpu.memory_space<hbm>>
        tpu.enqueue_dma source(%dma_start3A_178 : memref<80xi32, #tpu.memory_space<hbm>>) target(%dma_start3A_177 : memref<80xi32, #tpu.memory_space<vmem>>) target_semaphore(%arg22 : memref<!tpu.dma_semaphore, #tpu.memory_space<semaphore_mem>>)
        %add3A_179 = arith.constant 2 : i32
        %add3A_180 = arith.addi %add3A_56, %add3A_179 : i32
        %mul3A_181 = arith.constant 80 : i32
        %mul3A_182 = arith.muli %add3A_180, %mul3A_181 : i32
        %dma_start3A_183 = tpu.memref_slice %arg7[%mul3A_182] : memref<10320xi32, #tpu.memory_space<vmem>> -> memref<80xi32, #tpu.memory_space<vmem>>
        %dma_start3A_184 = arith.constant 0 : i32
        %dma_start3A_185 = arith.constant 0 : i32
        %dma_start3A_186 = tpu.memref_slice %arg2[%dma_start3A_184, %dma_start3A_185] : memref<10240x128xf32, #tpu.memory_space<hbm>> -> memref<10240x128xf32, #tpu.memory_space<hbm>>
        tpu.enqueue_indirect_dma source(%dma_start3A_186 : memref<10240x128xf32, #tpu.memory_space<hbm>>) target(%arg13 : memref<80x128xf32, #tpu.memory_space<vmem>>) offsets(%dma_start3A_183 : memref<80xi32, #tpu.memory_space<vmem>>) semaphore(%arg16 : memref<!tpu.dma_semaphore, #tpu.memory_space<semaphore_mem>>)
      } else {
      }
      %dma_wait3A_65 = arith.constant 0 : i32
      %dma_wait3A_66 = arith.constant 0 : i32
      %dma_wait3A_67 = tpu.memref_slice %arg2[%dma_wait3A_65, %dma_wait3A_66] : memref<10240x128xf32, #tpu.memory_space<hbm>> -> memref<80x128xf32, #tpu.memory_space<hbm>>
      %dma_wait3A_68 = arith.constant 0 : i32
      %dma_wait3A_69 = arith.constant 0 : i32
      %dma_wait3A_70 = tpu.memref_slice %arg2[%dma_wait3A_68, %dma_wait3A_69] : memref<10240x128xf32, #tpu.memory_space<hbm>> -> memref<80x128xf32, #tpu.memory_space<hbm>>
      tpu.wait_dma2 semaphore(%arg14 : memref<!tpu.dma_semaphore, #tpu.memory_space<semaphore_mem>>) src(%dma_wait3A_70 : memref<80x128xf32, #tpu.memory_space<hbm>>) dst(%arg11 : memref<80x128xf32, #tpu.memory_space<vmem>>)
      %dma_wait3A_71 = arith.constant 0 : i32
      %dma_wait3A_72 = arith.constant 0 : i32
      %dma_wait3A_73 = tpu.memref_slice %arg8[%dma_wait3A_71, %dma_wait3A_72] : memref<1x80xi32, #tpu.memory_space<vmem>> -> memref<1x80xi32, #tpu.memory_space<vmem>>
      %dma_wait3A_74 = tpu.memref_squeeze %dma_wait3A_73 : memref<1x80xi32, #tpu.memory_space<vmem>> -> memref<80xi32, #tpu.memory_space<vmem>>
      %dma_wait3A_75 = arith.constant 0 : i32
      %dma_wait3A_76 = tpu.memref_slice %arg4[%dma_wait3A_75] : memref<330240xi32, #tpu.memory_space<hbm>> -> memref<80xi32, #tpu.memory_space<hbm>>
      %dma_wait3A_77 = arith.constant 0 : i32
      %dma_wait3A_78 = tpu.memref_slice %arg8[%dma_wait3A_71, %dma_wait3A_77] : memref<1x80xi32, #tpu.memory_space<vmem>> -> memref<1x80xi32, #tpu.memory_space<vmem>>
      %dma_wait3A_79 = tpu.memref_squeeze %dma_wait3A_78 : memref<1x80xi32, #tpu.memory_space<vmem>> -> memref<80xi32, #tpu.memory_space<vmem>>
      %dma_wait3A_80 = arith.constant 0 : i32
      %dma_wait3A_81 = tpu.memref_slice %arg4[%dma_wait3A_80] : memref<330240xi32, #tpu.memory_space<hbm>> -> memref<80xi32, #tpu.memory_space<hbm>>
      tpu.wait_dma2 semaphore(%arg20 : memref<!tpu.dma_semaphore, #tpu.memory_space<semaphore_mem>>) src(%dma_wait3A_81 : memref<80xi32, #tpu.memory_space<hbm>>) dst(%dma_wait3A_79 : memref<80xi32, #tpu.memory_space<vmem>>)
      %dma_start3A_82 = arith.constant 0 : i32
      %dma_start3A_83 = arith.constant 0 : i32
      %dma_start3A_84 = tpu.memref_slice %arg8[%dma_start3A_82, %dma_start3A_83] : memref<1x80xi32, #tpu.memory_space<vmem>> -> memref<1x80xi32, #tpu.memory_space<vmem>>
      %dma_start3A_85 = tpu.memref_squeeze %dma_start3A_84 : memref<1x80xi32, #tpu.memory_space<vmem>> -> memref<80xi32, #tpu.memory_space<vmem>>
      %dma_start3A_86 = arith.constant 0 : i32
      %dma_start3A_87 = arith.constant 0 : i32
      %dma_start3A_88 = tpu.memref_slice %arg23[%dma_start3A_86, %dma_start3A_87] : memref<10240x128xf32, #tpu.memory_space<vmem_shared>> -> memref<10240x128xf32, #tpu.memory_space<vmem_shared>>
      tpu.enqueue_indirect_dma source(%arg11 : memref<80x128xf32, #tpu.memory_space<vmem>>) target(%dma_start3A_88 : memref<10240x128xf32, #tpu.memory_space<vmem_shared>>) offsets(%dma_start3A_85 : memref<80xi32, #tpu.memory_space<vmem>>) semaphore(%arg17 : memref<!tpu.dma_semaphore, #tpu.memory_space<semaphore_mem>>) {add = true}
      %add3A_89 = arith.constant 1 : i32
      %add3A_90 = arith.addi %add3A_54, %add3A_89 : i32
      %ge3A_91 = arith.constant 1 : i32
      %ge3A_92 = arith.cmpi sge, %add3A_90, %ge3A_91 : i32
      %convert_element_type3A_93 = arith.extui %ge3A_92 : i1 to i32
      %cond3A_94 = arith.constant 0 : i32
      %cond3A_95 = arith.cmpi ne, %convert_element_type3A_93, %cond3A_94 : i32
      scf.if %cond3A_95 {
        %dma_wait3A_165 = arith.constant 0 : i32
        %dma_wait3A_166 = arith.constant 0 : i32
        %dma_wait3A_167 = tpu.memref_slice %arg23[%dma_wait3A_165, %dma_wait3A_166] : memref<10240x128xf32, #tpu.memory_space<vmem_shared>> -> memref<80x128xf32, #tpu.memory_space<vmem_shared>>
        %dma_wait3A_168 = arith.constant 0 : i32
        %dma_wait3A_169 = arith.constant 0 : i32
        %dma_wait3A_170 = tpu.memref_slice %arg23[%dma_wait3A_168, %dma_wait3A_169] : memref<10240x128xf32, #tpu.memory_space<vmem_shared>> -> memref<80x128xf32, #tpu.memory_space<vmem_shared>>
        tpu.wait_dma2 semaphore(%arg17 : memref<!tpu.dma_semaphore, #tpu.memory_space<semaphore_mem>>) src(%arg11 : memref<80x128xf32, #tpu.memory_space<vmem>>) dst(%dma_wait3A_170 : memref<80x128xf32, #tpu.memory_space<vmem_shared>>)
      } else {
      }
      %add3A_96 = arith.constant 2 : i32
      %add3A_97 = arith.addi %add3A_90, %add3A_96 : i32
      %lt3A_98 = arith.constant 129 : i32
      %lt3A_99 = arith.cmpi slt, %add3A_97, %lt3A_98 : i32
      %convert_element_type3A_100 = arith.extui %lt3A_99 : i1 to i32
      %cond3A_101 = arith.constant 0 : i32
      %cond3A_102 = arith.cmpi ne, %convert_element_type3A_100, %cond3A_101 : i32
      scf.if %cond3A_102 {
        %add3A_165 = arith.constant 2 : i32
        %add3A_166 = arith.addi %add3A_90, %add3A_165 : i32
        %mul3A_167 = arith.constant 80 : i32
        %mul3A_168 = arith.muli %add3A_166, %mul3A_167 : i32
        %add3A_169 = arith.addi %mul3A_4, %mul3A_168 : i32
        %dma_start3A_170 = arith.constant 0 : i32
        %dma_start3A_171 = arith.constant 0 : i32
        %dma_start3A_172 = tpu.memref_slice %arg8[%dma_start3A_170, %dma_start3A_171] : memref<1x80xi32, #tpu.memory_space<vmem>> -> memref<1x80xi32, #tpu.memory_space<vmem>>
        %dma_start3A_173 = tpu.memref_squeeze %dma_start3A_172 : memref<1x80xi32, #tpu.memory_space<vmem>> -> memref<80xi32, #tpu.memory_space<vmem>>
        %dma_start3A_174 = tpu.memref_slice %arg4[%add3A_169] : memref<330240xi32, #tpu.memory_space<hbm>> -> memref<80xi32, #tpu.memory_space<hbm>>
        %dma_start3A_175 = arith.constant 0 : i32
        %dma_start3A_176 = tpu.memref_slice %arg8[%dma_start3A_170, %dma_start3A_175] : memref<1x80xi32, #tpu.memory_space<vmem>> -> memref<1x80xi32, #tpu.memory_space<vmem>>
        %dma_start3A_177 = tpu.memref_squeeze %dma_start3A_176 : memref<1x80xi32, #tpu.memory_space<vmem>> -> memref<80xi32, #tpu.memory_space<vmem>>
        %dma_start3A_178 = tpu.memref_slice %arg4[%add3A_169] : memref<330240xi32, #tpu.memory_space<hbm>> -> memref<80xi32, #tpu.memory_space<hbm>>
        tpu.enqueue_dma source(%dma_start3A_178 : memref<80xi32, #tpu.memory_space<hbm>>) target(%dma_start3A_177 : memref<80xi32, #tpu.memory_space<vmem>>) target_semaphore(%arg20 : memref<!tpu.dma_semaphore, #tpu.memory_space<semaphore_mem>>)
        %add3A_179 = arith.constant 2 : i32
        %add3A_180 = arith.addi %add3A_90, %add3A_179 : i32
        %mul3A_181 = arith.constant 80 : i32
        %mul3A_182 = arith.muli %add3A_180, %mul3A_181 : i32
        %dma_start3A_183 = tpu.memref_slice %arg7[%mul3A_182] : memref<10320xi32, #tpu.memory_space<vmem>> -> memref<80xi32, #tpu.memory_space<vmem>>
        %dma_start3A_184 = arith.constant 0 : i32
        %dma_start3A_185 = arith.constant 0 : i32
        %dma_start3A_186 = tpu.memref_slice %arg2[%dma_start3A_184, %dma_start3A_185] : memref<10240x128xf32, #tpu.memory_space<hbm>> -> memref<10240x128xf32, #tpu.memory_space<hbm>>
        tpu.enqueue_indirect_dma source(%dma_start3A_186 : memref<10240x128xf32, #tpu.memory_space<hbm>>) target(%arg11 : memref<80x128xf32, #tpu.memory_space<vmem>>) offsets(%dma_start3A_183 : memref<80xi32, #tpu.memory_space<vmem>>) semaphore(%arg14 : memref<!tpu.dma_semaphore, #tpu.memory_space<semaphore_mem>>)
      } else {
      }
      %dma_wait3A_103 = arith.constant 0 : i32
      %dma_wait3A_104 = arith.constant 0 : i32
      %dma_wait3A_105 = tpu.memref_slice %arg2[%dma_wait3A_103, %dma_wait3A_104] : memref<10240x128xf32, #tpu.memory_space<hbm>> -> memref<80x128xf32, #tpu.memory_space<hbm>>
      %dma_wait3A_106 = arith.constant 0 : i32
      %dma_wait3A_107 = arith.constant 0 : i32
      %dma_wait3A_108 = tpu.memref_slice %arg2[%dma_wait3A_106, %dma_wait3A_107] : memref<10240x128xf32, #tpu.memory_space<hbm>> -> memref<80x128xf32, #tpu.memory_space<hbm>>
      tpu.wait_dma2 semaphore(%arg15 : memref<!tpu.dma_semaphore, #tpu.memory_space<semaphore_mem>>) src(%dma_wait3A_108 : memref<80x128xf32, #tpu.memory_space<hbm>>) dst(%arg12 : memref<80x128xf32, #tpu.memory_space<vmem>>)
      %dma_wait3A_109 = arith.constant 0 : i32
      %dma_wait3A_110 = arith.constant 0 : i32
      %dma_wait3A_111 = tpu.memref_slice %arg9[%dma_wait3A_109, %dma_wait3A_110] : memref<1x80xi32, #tpu.memory_space<vmem>> -> memref<1x80xi32, #tpu.memory_space<vmem>>
      %dma_wait3A_112 = tpu.memref_squeeze %dma_wait3A_111 : memref<1x80xi32, #tpu.memory_space<vmem>> -> memref<80xi32, #tpu.memory_space<vmem>>
      %dma_wait3A_113 = arith.constant 0 : i32
      %dma_wait3A_114 = tpu.memref_slice %arg4[%dma_wait3A_113] : memref<330240xi32, #tpu.memory_space<hbm>> -> memref<80xi32, #tpu.memory_space<hbm>>
      %dma_wait3A_115 = arith.constant 0 : i32
      %dma_wait3A_116 = tpu.memref_slice %arg9[%dma_wait3A_109, %dma_wait3A_115] : memref<1x80xi32, #tpu.memory_space<vmem>> -> memref<1x80xi32, #tpu.memory_space<vmem>>
      %dma_wait3A_117 = tpu.memref_squeeze %dma_wait3A_116 : memref<1x80xi32, #tpu.memory_space<vmem>> -> memref<80xi32, #tpu.memory_space<vmem>>
      %dma_wait3A_118 = arith.constant 0 : i32
      %dma_wait3A_119 = tpu.memref_slice %arg4[%dma_wait3A_118] : memref<330240xi32, #tpu.memory_space<hbm>> -> memref<80xi32, #tpu.memory_space<hbm>>
      tpu.wait_dma2 semaphore(%arg21 : memref<!tpu.dma_semaphore, #tpu.memory_space<semaphore_mem>>) src(%dma_wait3A_119 : memref<80xi32, #tpu.memory_space<hbm>>) dst(%dma_wait3A_117 : memref<80xi32, #tpu.memory_space<vmem>>)
      %dma_start3A_120 = arith.constant 0 : i32
      %dma_start3A_121 = arith.constant 0 : i32
      %dma_start3A_122 = tpu.memref_slice %arg9[%dma_start3A_120, %dma_start3A_121] : memref<1x80xi32, #tpu.memory_space<vmem>> -> memref<1x80xi32, #tpu.memory_space<vmem>>
      %dma_start3A_123 = tpu.memref_squeeze %dma_start3A_122 : memref<1x80xi32, #tpu.memory_space<vmem>> -> memref<80xi32, #tpu.memory_space<vmem>>
      %dma_start3A_124 = arith.constant 0 : i32
      %dma_start3A_125 = arith.constant 0 : i32
      %dma_start3A_126 = tpu.memref_slice %arg23[%dma_start3A_124, %dma_start3A_125] : memref<10240x128xf32, #tpu.memory_space<vmem_shared>> -> memref<10240x128xf32, #tpu.memory_space<vmem_shared>>
      tpu.enqueue_indirect_dma source(%arg12 : memref<80x128xf32, #tpu.memory_space<vmem>>) target(%dma_start3A_126 : memref<10240x128xf32, #tpu.memory_space<vmem_shared>>) offsets(%dma_start3A_123 : memref<80xi32, #tpu.memory_space<vmem>>) semaphore(%arg18 : memref<!tpu.dma_semaphore, #tpu.memory_space<semaphore_mem>>) {add = true}
      %add3A_127 = arith.constant 2 : i32
      %add3A_128 = arith.addi %add3A_54, %add3A_127 : i32
      %ge3A_129 = arith.constant 1 : i32
      %ge3A_130 = arith.cmpi sge, %add3A_128, %ge3A_129 : i32
      %convert_element_type3A_131 = arith.extui %ge3A_130 : i1 to i32
      %cond3A_132 = arith.constant 0 : i32
      %cond3A_133 = arith.cmpi ne, %convert_element_type3A_131, %cond3A_132 : i32
      scf.if %cond3A_133 {
        %dma_wait3A_165 = arith.constant 0 : i32
        %dma_wait3A_166 = arith.constant 0 : i32
        %dma_wait3A_167 = tpu.memref_slice %arg23[%dma_wait3A_165, %dma_wait3A_166] : memref<10240x128xf32, #tpu.memory_space<vmem_shared>> -> memref<80x128xf32, #tpu.memory_space<vmem_shared>>
        %dma_wait3A_168 = arith.constant 0 : i32
        %dma_wait3A_169 = arith.constant 0 : i32
        %dma_wait3A_170 = tpu.memref_slice %arg23[%dma_wait3A_168, %dma_wait3A_169] : memref<10240x128xf32, #tpu.memory_space<vmem_shared>> -> memref<80x128xf32, #tpu.memory_space<vmem_shared>>
        tpu.wait_dma2 semaphore(%arg18 : memref<!tpu.dma_semaphore, #tpu.memory_space<semaphore_mem>>) src(%arg12 : memref<80x128xf32, #tpu.memory_space<vmem>>) dst(%dma_wait3A_170 : memref<80x128xf32, #tpu.memory_space<vmem_shared>>)
      } else {
      }
      %add3A_134 = arith.constant 2 : i32
      %add3A_135 = arith.addi %add3A_128, %add3A_134 : i32
      %lt3A_136 = arith.constant 129 : i32
      %lt3A_137 = arith.cmpi slt, %add3A_135, %lt3A_136 : i32
      %convert_element_type3A_138 = arith.extui %lt3A_137 : i1 to i32
      %cond3A_139 = arith.constant 0 : i32
      %cond3A_140 = arith.cmpi ne, %convert_element_type3A_138, %cond3A_139 : i32
      scf.if %cond3A_140 {
        %add3A_165 = arith.constant 2 : i32
        %add3A_166 = arith.addi %add3A_128, %add3A_165 : i32
        %mul3A_167 = arith.constant 80 : i32
        %mul3A_168 = arith.muli %add3A_166, %mul3A_167 : i32
        %add3A_169 = arith.addi %mul3A_4, %mul3A_168 : i32
        %dma_start3A_170 = arith.constant 0 : i32
        %dma_start3A_171 = arith.constant 0 : i32
        %dma_start3A_172 = tpu.memref_slice %arg9[%dma_start3A_170, %dma_start3A_171] : memref<1x80xi32, #tpu.memory_space<vmem>> -> memref<1x80xi32, #tpu.memory_space<vmem>>
        %dma_start3A_173 = tpu.memref_squeeze %dma_start3A_172 : memref<1x80xi32, #tpu.memory_space<vmem>> -> memref<80xi32, #tpu.memory_space<vmem>>
        %dma_start3A_174 = tpu.memref_slice %arg4[%add3A_169] : memref<330240xi32, #tpu.memory_space<hbm>> -> memref<80xi32, #tpu.memory_space<hbm>>
        %dma_start3A_175 = arith.constant 0 : i32
        %dma_start3A_176 = tpu.memref_slice %arg9[%dma_start3A_170, %dma_start3A_175] : memref<1x80xi32, #tpu.memory_space<vmem>> -> memref<1x80xi32, #tpu.memory_space<vmem>>
        %dma_start3A_177 = tpu.memref_squeeze %dma_start3A_176 : memref<1x80xi32, #tpu.memory_space<vmem>> -> memref<80xi32, #tpu.memory_space<vmem>>
        %dma_start3A_178 = tpu.memref_slice %arg4[%add3A_169] : memref<330240xi32, #tpu.memory_space<hbm>> -> memref<80xi32, #tpu.memory_space<hbm>>
        tpu.enqueue_dma source(%dma_start3A_178 : memref<80xi32, #tpu.memory_space<hbm>>) target(%dma_start3A_177 : memref<80xi32, #tpu.memory_space<vmem>>) target_semaphore(%arg21 : memref<!tpu.dma_semaphore, #tpu.memory_space<semaphore_mem>>)
        %add3A_179 = arith.constant 2 : i32
        %add3A_180 = arith.addi %add3A_128, %add3A_179 : i32
        %mul3A_181 = arith.constant 80 : i32
        %mul3A_182 = arith.muli %add3A_180, %mul3A_181 : i32
        %dma_start3A_183 = tpu.memref_slice %arg7[%mul3A_182] : memref<10320xi32, #tpu.memory_space<vmem>> -> memref<80xi32, #tpu.memory_space<vmem>>
        %dma_start3A_184 = arith.constant 0 : i32
        %dma_start3A_185 = arith.constant 0 : i32
        %dma_start3A_186 = tpu.memref_slice %arg2[%dma_start3A_184, %dma_start3A_185] : memref<10240x128xf32, #tpu.memory_space<hbm>> -> memref<10240x128xf32, #tpu.memory_space<hbm>>
        tpu.enqueue_indirect_dma source(%dma_start3A_186 : memref<10240x128xf32, #tpu.memory_space<hbm>>) target(%arg12 : memref<80x128xf32, #tpu.memory_space<vmem>>) offsets(%dma_start3A_183 : memref<80xi32, #tpu.memory_space<vmem>>) semaphore(%arg15 : memref<!tpu.dma_semaphore, #tpu.memory_space<semaphore_mem>>)
      } else {
      }
      %dma_wait3A_141 = arith.constant 0 : i32
      %dma_wait3A_142 = arith.constant 0 : i32
      %dma_wait3A_143 = tpu.memref_slice %arg2[%dma_wait3A_141, %dma_wait3A_142] : memref<10240x128xf32, #tpu.memory_space<hbm>> -> memref<80x128xf32, #tpu.memory_space<hbm>>
      %dma_wait3A_144 = arith.constant 0 : i32
      %dma_wait3A_145 = arith.constant 0 : i32
      %dma_wait3A_146 = tpu.memref_slice %arg2[%dma_wait3A_144, %dma_wait3A_145] : memref<10240x128xf32, #tpu.memory_space<hbm>> -> memref<80x128xf32, #tpu.memory_space<hbm>>
      tpu.wait_dma2 semaphore(%arg16 : memref<!tpu.dma_semaphore, #tpu.memory_space<semaphore_mem>>) src(%dma_wait3A_146 : memref<80x128xf32, #tpu.memory_space<hbm>>) dst(%arg13 : memref<80x128xf32, #tpu.memory_space<vmem>>)
      %dma_wait3A_147 = arith.constant 0 : i32
      %dma_wait3A_148 = arith.constant 0 : i32
      %dma_wait3A_149 = tpu.memref_slice %arg10[%dma_wait3A_147, %dma_wait3A_148] : memref<1x80xi32, #tpu.memory_space<vmem>> -> memref<1x80xi32, #tpu.memory_space<vmem>>
      %dma_wait3A_150 = tpu.memref_squeeze %dma_wait3A_149 : memref<1x80xi32, #tpu.memory_space<vmem>> -> memref<80xi32, #tpu.memory_space<vmem>>
      %dma_wait3A_151 = arith.constant 0 : i32
      %dma_wait3A_152 = tpu.memref_slice %arg4[%dma_wait3A_151] : memref<330240xi32, #tpu.memory_space<hbm>> -> memref<80xi32, #tpu.memory_space<hbm>>
      %dma_wait3A_153 = arith.constant 0 : i32
      %dma_wait3A_154 = tpu.memref_slice %arg10[%dma_wait3A_147, %dma_wait3A_153] : memref<1x80xi32, #tpu.memory_space<vmem>> -> memref<1x80xi32, #tpu.memory_space<vmem>>
      %dma_wait3A_155 = tpu.memref_squeeze %dma_wait3A_154 : memref<1x80xi32, #tpu.memory_space<vmem>> -> memref<80xi32, #tpu.memory_space<vmem>>
      %dma_wait3A_156 = arith.constant 0 : i32
      %dma_wait3A_157 = tpu.memref_slice %arg4[%dma_wait3A_156] : memref<330240xi32, #tpu.memory_space<hbm>> -> memref<80xi32, #tpu.memory_space<hbm>>
      tpu.wait_dma2 semaphore(%arg22 : memref<!tpu.dma_semaphore, #tpu.memory_space<semaphore_mem>>) src(%dma_wait3A_157 : memref<80xi32, #tpu.memory_space<hbm>>) dst(%dma_wait3A_155 : memref<80xi32, #tpu.memory_space<vmem>>)
      %dma_start3A_158 = arith.constant 0 : i32
      %dma_start3A_159 = arith.constant 0 : i32
      %dma_start3A_160 = tpu.memref_slice %arg10[%dma_start3A_158, %dma_start3A_159] : memref<1x80xi32, #tpu.memory_space<vmem>> -> memref<1x80xi32, #tpu.memory_space<vmem>>
      %dma_start3A_161 = tpu.memref_squeeze %dma_start3A_160 : memref<1x80xi32, #tpu.memory_space<vmem>> -> memref<80xi32, #tpu.memory_space<vmem>>
      %dma_start3A_162 = arith.constant 0 : i32
      %dma_start3A_163 = arith.constant 0 : i32
      %dma_start3A_164 = tpu.memref_slice %arg23[%dma_start3A_162, %dma_start3A_163] : memref<10240x128xf32, #tpu.memory_space<vmem_shared>> -> memref<10240x128xf32, #tpu.memory_space<vmem_shared>>
      tpu.enqueue_indirect_dma source(%arg13 : memref<80x128xf32, #tpu.memory_space<vmem>>) target(%dma_start3A_164 : memref<10240x128xf32, #tpu.memory_space<vmem_shared>>) offsets(%dma_start3A_161 : memref<80xi32, #tpu.memory_space<vmem>>) semaphore(%arg19 : memref<!tpu.dma_semaphore, #tpu.memory_space<semaphore_mem>>) {add = true}
    }
    %scan3A_39 = arith.constant 43 : i32
    %dma_wait3A = arith.constant 0 : i32
    %dma_wait3A_40 = arith.constant 0 : i32
    %dma_wait3A_41 = tpu.memref_slice %arg23[%dma_wait3A, %dma_wait3A_40] : memref<10240x128xf32, #tpu.memory_space<vmem_shared>> -> memref<80x128xf32, #tpu.memory_space<vmem_shared>>
    %dma_wait3A_42 = arith.constant 0 : i32
    %dma_wait3A_43 = arith.constant 0 : i32
    %dma_wait3A_44 = tpu.memref_slice %arg23[%dma_wait3A_42, %dma_wait3A_43] : memref<10240x128xf32, #tpu.memory_space<vmem_shared>> -> memref<80x128xf32, #tpu.memory_space<vmem_shared>>
    tpu.wait_dma2 semaphore(%arg19 : memref<!tpu.dma_semaphore, #tpu.memory_space<semaphore_mem>>) src(%arg13 : memref<80x128xf32, #tpu.memory_space<vmem>>) dst(%dma_wait3A_44 : memref<80x128xf32, #tpu.memory_space<vmem_shared>>)
    %barrier3A_45 = arith.constant 0 : index
    tpu.barrier barrier_id(%barrier3A_45)
    %mul3A_46 = arith.constant 640 : i32
    %mul3A_47 = arith.muli %arg1, %mul3A_46 : i32
    %mul3A_48 = arith.constant 640 : i32
    %mul3A_49 = arith.muli %arg1, %mul3A_48 : i32
    "tpu.region"() ({
      %run_scoped3A = tpu.sem_alloc : memref<!tpu.dma_semaphore, #tpu.memory_space<semaphore_mem>>
      %dma_start3A_50 = arith.constant 0 : i32
      %dma_start3A_51 = tpu.memref_slice %arg6[%arg0, %mul3A_49, %dma_start3A_50] : memref<2x10240x128xf32, #tpu.memory_space<hbm>> -> memref<1x640x128xf32, #tpu.memory_space<hbm>>
      %dma_start3A_52 = tpu.memref_squeeze %dma_start3A_51 : memref<1x640x128xf32, #tpu.memory_space<hbm>> -> memref<640x128xf32, #tpu.memory_space<hbm>>
      %dma_start3A_53 = arith.constant 0 : i32
      %dma_start3A_54 = tpu.memref_slice %arg23[%mul3A_47, %dma_start3A_53] : memref<10240x128xf32, #tpu.memory_space<vmem_shared>> -> memref<640x128xf32, #tpu.memory_space<vmem_shared>>
      tpu.enqueue_dma source(%dma_start3A_54 : memref<640x128xf32, #tpu.memory_space<vmem_shared>>) target(%dma_start3A_52 : memref<640x128xf32, #tpu.memory_space<hbm>>) target_semaphore(%run_scoped3A : memref<!tpu.dma_semaphore, #tpu.memory_space<semaphore_mem>>)
      %dma_wait3A_55 = arith.constant 0 : i32
      %dma_wait3A_56 = tpu.memref_slice %arg6[%arg0, %mul3A_49, %dma_wait3A_55] : memref<2x10240x128xf32, #tpu.memory_space<hbm>> -> memref<1x640x128xf32, #tpu.memory_space<hbm>>
      %dma_wait3A_57 = tpu.memref_squeeze %dma_wait3A_56 : memref<1x640x128xf32, #tpu.memory_space<hbm>> -> memref<640x128xf32, #tpu.memory_space<hbm>>
      %dma_wait3A_58 = arith.constant 0 : i32
      %dma_wait3A_59 = tpu.memref_slice %arg23[%mul3A_47, %dma_wait3A_58] : memref<10240x128xf32, #tpu.memory_space<vmem_shared>> -> memref<640x128xf32, #tpu.memory_space<vmem_shared>>
      tpu.wait_dma2 semaphore(%run_scoped3A : memref<!tpu.dma_semaphore, #tpu.memory_space<semaphore_mem>>) src(%dma_wait3A_59 : memref<640x128xf32, #tpu.memory_space<vmem_shared>>) dst(%dma_wait3A_57 : memref<640x128xf32, #tpu.memory_space<hbm>>)
      tpu.yield
    }) : () -> ()
    return
  }
}

module attributes {stable_mosaic.version = 14 : i64} {
  func.func @body(%arg0: memref<10000x128xf32, #tpu.memory_space<vmem>>, %arg1: memref<2x10240x16xf32, #tpu.memory_space<vmem>>, %arg2: memref<10240x128xf32, #tpu.memory_space<vmem>>, %arg3: memref<10000x128xf32, #tpu.memory_space<vmem>>) attributes {dimension_semantics = [], scalar_prefetch = 0 : i64, scratch_operands = 0 : i64, tpu.core_type = #tpu.core_type<tc>} {
    %get3A = arith.constant 0 : index
    %get3A_0 = arith.constant 0 : index
    %get3A_1 = arith.constant 0 : index
    %get3A_2 = vector.load %arg1[%get3A, %get3A_0, %get3A_1] : memref<2x10240x16xf32, #tpu.memory_space<vmem>>, vector<1x10000x1xf32>
    %get3A_3 = vector.shape_cast %get3A_2 : vector<1x10000x1xf32> to vector<10000x1xf32>
    %get3A_4 = arith.constant 1 : index
    %get3A_5 = arith.constant 0 : index
    %get3A_6 = arith.constant 0 : index
    %get3A_7 = vector.load %arg1[%get3A_4, %get3A_5, %get3A_6] : memref<2x10240x16xf32, #tpu.memory_space<vmem>>, vector<1x10000x1xf32>
    %get3A_8 = vector.shape_cast %get3A_7 : vector<1x10000x1xf32> to vector<10000x1xf32>
    %add3A = arith.addf %get3A_3, %get3A_8 : vector<10000x1xf32>
    %rsqrt3A = math.rsqrt %add3A : vector<10000x1xf32>
    %get3A_9 = arith.constant 0 : index
    %get3A_10 = arith.constant 0 : index
    %get3A_11 = vector.load %arg0[%get3A_9, %get3A_10] : memref<10000x128xf32, #tpu.memory_space<vmem>>, vector<10000x128xf32>
    %mul3A = vector.broadcast %rsqrt3A : vector<10000x1xf32> to vector<10000x128xf32>
    %mul3A_12 = arith.mulf %get3A_11, %mul3A : vector<10000x128xf32>
    %swap3A = arith.constant 0 : index
    %swap3A_13 = arith.constant 0 : index
    %swap3A_14 = vector.load %arg2[%swap3A, %swap3A_13] : memref<10240x128xf32, #tpu.memory_space<vmem>>, vector<10000x128xf32>
    tpu.vector_store %arg2[%swap3A, %swap3A_13], %mul3A_12 {strides = array<i32>} : memref<10240x128xf32, #tpu.memory_space<vmem>>, vector<10000x128xf32>,
    %broadcast_in_dim3A = arith.constant 0.000000e+00 : f32
    %broadcast_in_dim3A_15 = vector.broadcast %broadcast_in_dim3A : f32 to vector<240x128xf32>
    %swap3A_16 = arith.constant 10000 : index
    %swap3A_17 = arith.constant 0 : index
    %swap3A_18 = vector.load %arg2[%swap3A_16, %swap3A_17] : memref<10240x128xf32, #tpu.memory_space<vmem>>, vector<240x128xf32>
    tpu.vector_store %arg2[%swap3A_16, %swap3A_17], %broadcast_in_dim3A_15 {strides = array<i32>} : memref<10240x128xf32, #tpu.memory_space<vmem>>, vector<240x128xf32>,
    %mul3A_19 = arith.mulf %rsqrt3A, %rsqrt3A : vector<10000x1xf32>
    %mul3A_20 = vector.broadcast %mul3A_19 : vector<10000x1xf32> to vector<10000x128xf32>
    %mul3A_21 = arith.mulf %get3A_11, %mul3A_20 : vector<10000x128xf32>
    %swap3A_22 = arith.constant 0 : index
    %swap3A_23 = arith.constant 0 : index
    %swap3A_24 = vector.load %arg3[%swap3A_22, %swap3A_23] : memref<10000x128xf32, #tpu.memory_space<vmem>>, vector<10000x128xf32>
    tpu.vector_store %arg3[%swap3A_22, %swap3A_23], %mul3A_21 {strides = array<i32>} : memref<10000x128xf32, #tpu.memory_space<vmem>>, vector<10000x128xf32>,
    return
  }
}

module attributes {stable_mosaic.version = 14 : i64} {
  func.func @body(%arg0: memref<2x10240x128xf32, #tpu.memory_space<vmem>>, %arg1: memref<2x10240x16xf32, #tpu.memory_space<vmem>>, %arg2: memref<10000x128xf32, #tpu.memory_space<vmem>>, %arg3: memref<10240x128xf32, #tpu.memory_space<vmem>>) attributes {dimension_semantics = [], scalar_prefetch = 0 : i64, scratch_operands = 0 : i64, tpu.core_type = #tpu.core_type<tc>} {
    %get3A = arith.constant 0 : index
    %get3A_0 = arith.constant 0 : index
    %get3A_1 = arith.constant 0 : index
    %get3A_2 = vector.load %arg1[%get3A, %get3A_0, %get3A_1] : memref<2x10240x16xf32, #tpu.memory_space<vmem>>, vector<1x10000x1xf32>
    %get3A_3 = vector.shape_cast %get3A_2 : vector<1x10000x1xf32> to vector<10000x1xf32>
    %get3A_4 = arith.constant 1 : index
    %get3A_5 = arith.constant 0 : index
    %get3A_6 = arith.constant 0 : index
    %get3A_7 = vector.load %arg1[%get3A_4, %get3A_5, %get3A_6] : memref<2x10240x16xf32, #tpu.memory_space<vmem>>, vector<1x10000x1xf32>
    %get3A_8 = vector.shape_cast %get3A_7 : vector<1x10000x1xf32> to vector<10000x1xf32>
    %add3A = arith.addf %get3A_3, %get3A_8 : vector<10000x1xf32>
    %rsqrt3A = math.rsqrt %add3A : vector<10000x1xf32>
    %get3A_9 = arith.constant 0 : index
    %get3A_10 = arith.constant 0 : index
    %get3A_11 = arith.constant 0 : index
    %get3A_12 = vector.load %arg0[%get3A_9, %get3A_10, %get3A_11] : memref<2x10240x128xf32, #tpu.memory_space<vmem>>, vector<1x10000x128xf32>
    %get3A_13 = vector.shape_cast %get3A_12 : vector<1x10000x128xf32> to vector<10000x128xf32>
    %get3A_14 = arith.constant 1 : index
    %get3A_15 = arith.constant 0 : index
    %get3A_16 = arith.constant 0 : index
    %get3A_17 = vector.load %arg0[%get3A_14, %get3A_15, %get3A_16] : memref<2x10240x128xf32, #tpu.memory_space<vmem>>, vector<1x10000x128xf32>
    %get3A_18 = vector.shape_cast %get3A_17 : vector<1x10000x128xf32> to vector<10000x128xf32>
    %add3A_19 = arith.addf %get3A_13, %get3A_18 : vector<10000x128xf32>
    %mul3A = vector.broadcast %rsqrt3A : vector<10000x1xf32> to vector<10000x128xf32>
    %mul3A_20 = arith.mulf %add3A_19, %mul3A : vector<10000x128xf32>
    %get3A_21 = arith.constant 0 : index
    %get3A_22 = arith.constant 0 : index
    %get3A_23 = vector.load %arg2[%get3A_21, %get3A_22] : memref<10000x128xf32, #tpu.memory_space<vmem>>, vector<10000x128xf32>
    %add3A_24 = arith.addf %mul3A_20, %get3A_23 : vector<10000x128xf32>
    %mul3A_25 = vector.broadcast %rsqrt3A : vector<10000x1xf32> to vector<10000x128xf32>
    %mul3A_26 = arith.mulf %add3A_24, %mul3A_25 : vector<10000x128xf32>
    %swap3A = arith.constant 0 : index
    %swap3A_27 = arith.constant 0 : index
    %swap3A_28 = vector.load %arg3[%swap3A, %swap3A_27] : memref<10240x128xf32, #tpu.memory_space<vmem>>, vector<10000x128xf32>
    tpu.vector_store %arg3[%swap3A, %swap3A_27], %mul3A_26 {strides = array<i32>} : memref<10240x128xf32, #tpu.memory_space<vmem>>, vector<10000x128xf32>,
    %broadcast_in_dim3A = arith.constant 0.000000e+00 : f32
    %broadcast_in_dim3A_29 = vector.broadcast %broadcast_in_dim3A : f32 to vector<240x128xf32>
    %swap3A_30 = arith.constant 10000 : index
    %swap3A_31 = arith.constant 0 : index
    %swap3A_32 = vector.load %arg3[%swap3A_30, %swap3A_31] : memref<10240x128xf32, #tpu.memory_space<vmem>>, vector<240x128xf32>
    tpu.vector_store %arg3[%swap3A_30, %swap3A_31], %broadcast_in_dim3A_29 {strides = array<i32>} : memref<10240x128xf32, #tpu.memory_space<vmem>>, vector<240x128xf32>,
    return
  }
}

module attributes {stable_mosaic.version = 14 : i64} {
  func.func @body(%arg0: memref<2x10240x128xf32, #tpu.memory_space<vmem>>, %arg1: memref<2x10240x16xf32, #tpu.memory_space<vmem>>, %arg2: memref<10000x128xf32, #tpu.memory_space<vmem>>, %arg3: memref<10000x128xf32, #tpu.memory_space<vmem>>) attributes {dimension_semantics = [], scalar_prefetch = 0 : i64, scratch_operands = 0 : i64, tpu.core_type = #tpu.core_type<tc>} {
    %get3A = arith.constant 0 : index
    %get3A_0 = arith.constant 0 : index
    %get3A_1 = arith.constant 0 : index
    %get3A_2 = vector.load %arg1[%get3A, %get3A_0, %get3A_1] : memref<2x10240x16xf32, #tpu.memory_space<vmem>>, vector<1x10000x1xf32>
    %get3A_3 = vector.shape_cast %get3A_2 : vector<1x10000x1xf32> to vector<10000x1xf32>
    %get3A_4 = arith.constant 1 : index
    %get3A_5 = arith.constant 0 : index
    %get3A_6 = arith.constant 0 : index
    %get3A_7 = vector.load %arg1[%get3A_4, %get3A_5, %get3A_6] : memref<2x10240x16xf32, #tpu.memory_space<vmem>>, vector<1x10000x1xf32>
    %get3A_8 = vector.shape_cast %get3A_7 : vector<1x10000x1xf32> to vector<10000x1xf32>
    %add3A = arith.addf %get3A_3, %get3A_8 : vector<10000x1xf32>
    %rsqrt3A = math.rsqrt %add3A : vector<10000x1xf32>
    %get3A_9 = arith.constant 0 : index
    %get3A_10 = arith.constant 0 : index
    %get3A_11 = arith.constant 0 : index
    %get3A_12 = vector.load %arg0[%get3A_9, %get3A_10, %get3A_11] : memref<2x10240x128xf32, #tpu.memory_space<vmem>>, vector<1x10000x128xf32>
    %get3A_13 = vector.shape_cast %get3A_12 : vector<1x10000x128xf32> to vector<10000x128xf32>
    %get3A_14 = arith.constant 1 : index
    %get3A_15 = arith.constant 0 : index
    %get3A_16 = arith.constant 0 : index
    %get3A_17 = vector.load %arg0[%get3A_14, %get3A_15, %get3A_16] : memref<2x10240x128xf32, #tpu.memory_space<vmem>>, vector<1x10000x128xf32>
    %get3A_18 = vector.shape_cast %get3A_17 : vector<1x10000x128xf32> to vector<10000x128xf32>
    %add3A_19 = arith.addf %get3A_13, %get3A_18 : vector<10000x128xf32>
    %mul3A = vector.broadcast %rsqrt3A : vector<10000x1xf32> to vector<10000x128xf32>
    %mul3A_20 = arith.mulf %add3A_19, %mul3A : vector<10000x128xf32>
    %get3A_21 = arith.constant 0 : index
    %get3A_22 = arith.constant 0 : index
    %get3A_23 = vector.load %arg2[%get3A_21, %get3A_22] : memref<10000x128xf32, #tpu.memory_space<vmem>>, vector<10000x128xf32>
    %add3A_24 = arith.addf %mul3A_20, %get3A_23 : vector<10000x128xf32>
    %swap3A = arith.constant 0 : index
    %swap3A_25 = arith.constant 0 : index
    %swap3A_26 = vector.load %arg3[%swap3A, %swap3A_25] : memref<10000x128xf32, #tpu.memory_space<vmem>>, vector<10000x128xf32>
    tpu.vector_store %arg3[%swap3A, %swap3A_25], %add3A_24 {strides = array<i32>} : memref<10000x128xf32, #tpu.memory_space<vmem>>, vector<10000x128xf32>,
    return
  }
}

</mosaic_0001>

<sc_bundles>
// kernel: kernel.11.cloned.1.call-start
scs
__scs_entry_jumppad:
0x0: {  	(pc) =	sbr.rel $0x88, $3  }
0x1: {  	(tag) =	ssettag $0x0;
	lr =	simm.s32 $0x1  }
0x2: {  	[smem:$0x3F9F] =	sst lr;
	_ =	strace $0xD0000000  }
0x3: {  	_ = 	snop  }
0x4: {  	_ = 	snop  }
0x5: {  	_ = 	snop  }
0x6: {  	_ = 	snop  }
0x7: {  	_ = 	snop  }
__scs_overlays_trampoline_lowered:
0x8: {  	[smem:$0x3FAE] =	sst s0  }
0x9: {  	[smem:$0x3FAF] =	sst s1  }
0xa: {  	[smem:$0x3FB0] =	sst s2  }
0xb: {  	[smem:$0x3FB1] =	sst s3  }
0xc: {  	[smem:$0x3FB2] =	sst s4  }
0xd: {  	[smem:$0x3FB3] =	sst s5  }
0xe: {  	[smem:$0x3FB4] =	sst s6  }
0xf: {  	[smem:$0x3FB5] =	sst s7  }
0x10: {  	[smem:$0x3FB6] =	sst s8  }
0x11: {  	[smem:$0x3FB7] =	sst s9;
	s0 =	simm.s32 @!p0 $0x0  }
0x12: {  	s1 =	sld [smem:$0x3F9D];
	s0 =	simm.s32 @p0 $0x1  }
0x13: {  	[smem:$0x3FB8] =	sst s0;
	s0 =	simm.s32 @!p1 $0x0  }
0x14: {  	s2 =	sld [smem:$0x3F9C];
	s0 =	simm.s32 @p1 $0x1  }
0x15: {  	[smem:$0x3FB9] =	sst s0;
	s0 =	simm.s32 @!p2 $0x0  }
0x16: {  	s3 =	sld [smem:$0x3FDB];
	s0 =	simm.s32 @p2 $0x1  }
0x17: {  	s4 =	simm.s32 $0x1BF5;
	[smem:$0x3FBB] =	sst s0  }
0x18: {  	s0 =	sld [smem:$0x3F9E];
	_ =	swait.ge [sflag:s4], $0x0  }
0x19: {  	s7 =	sld [smem:$0x3F9F]  }
0x1a: {  	s8 =	sadd.s32 $0xFFFFE003, lr  }
0x1b: {  	s9 =	sadd.s32 $0xFFFFFEF7, lr;
	s5 =	simm.s32 $0xFFFFFFFF;
	p2 =	slt.u32 s8, $0xFFFFF086  }
0x1c: {  	p1 =	slt.u32 s9, $0xF7A;
	s5 =	simm.s32 @!p2 $0x0  }
0x1d: {  	s5 =	simm.s32 @p1 $0x1;
	p0 =	seq.s32 s7, s2  }
0x1e: {  	s7 =	smul.u32 @!p0 $0xF7A, s2;
	p2 =	seq.s32 @!p0 s5, $0x0  }
0x1f: {  	s9 =	smul.u32 $0xF7A, s1;
	s8 =	simm.s32 @!p0 $0x1BF5;
	p2 =	por !p2, p0  }
0x20: {  	[sflag:s8] =	ssyncset.s32 @!p0 $0xFFFFF086;
	s6 =	sadd.s32 @!p0 s3, s7;
	s7 =	simm.s32 @!p0 $0x108  }
0x21: {  	s3 =	sadd.s32 s3, s9;
	s6 =	sadd.s32 @!p0 $0x88, s6;
	s7 =	simm.s32 @p2 $0x1082  }
0x22: {  	[simem:s7], [sflag:s8] =	dma.local @!p0 [hbm:s6], $0xF7A  }
0x23: {  	s9 =	sor.u32 $0xD0000000, s2;
	s6 =	simm.s32 $0x108;
	_ =	swait.ge @!p0 [sflag:s8], $0x0  }
0x24: {  	s3 =	sadd.s32 $0x88, s3;
	s6 =	simm.s32 @!p1 $0x1082;
	[sflag:s4] =	ssyncset.s32 $0xFFFFF086  }
0x25: {  	[simem:s6], [sflag:s4] =	dma.local [hbm:s3], $0xF7A  }
0x26: {  	[smem:$0x3F9F] =	sst s1;
	(tag) =	ssettag s2;
	_ =	strace s9  }
0x27: {  	s1 =	sld [smem:$0x3FAF]  }
0x28: {  	s2 =	sld [smem:$0x3FB0]  }
0x29: {  	s4 =	sld [smem:$0x3FB2]  }
0x2a: {  	p0 =	seq.s32 s5, $0x0;
	s5 =	sld [smem:$0x3FB3]  }
0x2b: {  	s6 =	sld [smem:$0x3FB4]  }
0x2c: {  	s7 =	sld [smem:$0x3FB5]  }
0x2d: {  	s3 =	simm.s32 $0x108;
	s8 =	sld [smem:$0x3FB6]  }
0x2e: {  	s3 =	simm.s32 @!p0 $0x1082;
	s9 =	sld [smem:$0x3FB7]  }
0x2f: {  	lr =	sadd.s32 s0, s3;
	s0 =	sld [smem:$0x3FAE]  }
0x30: {  	s3 =	sld [smem:$0x3FB1]  }
0x31: {  	[smem:$0x3FBA] =	sst s10  }
0x32: {  	s10 =	sld [smem:$0x3FB8];
	_ =	sdelay $0x3  }
0x33: {  	p0 =	seq.s32 s10, $0x1;
	s10 =	sld [smem:$0x3FBA];
	_ =	sdelay $0x3  }
0x34: {  	[smem:$0x3FBA] =	sst s10  }
0x35: {  	s10 =	sld [smem:$0x3FB9];
	_ =	sdelay $0x3  }
0x36: {  	p1 =	seq.s32 s10, $0x1;
	s10 =	sld [smem:$0x3FBA];
	_ =	sdelay $0x3  }
0x37: {  	[smem:$0x3FBA] =	sst s10  }
0x38: {  	s10 =	sld [smem:$0x3FBB]  }
0x39: {  	_ = 	snop;
	(pc) =	sbr.ind lr, $3  }
0x3a: {  	_ = 	snop  }
0x3b: {  	_ = 	snop  }
0x3c: {  	p2 =	seq.s32 s10, $0x1;
	s10 =	sld [smem:$0x3FBA]  }
0x3d: {  	_ =	shalt  }
0x3e: {  	_ =	shalt  }
0x3f: {  	_ =	shalt  }
0x40: {  	_ =	shalt  }
0x41: {  	_ =	shalt  }
0x42: {  	_ =	shalt  }
0x43: {  	_ =	shalt  }
0x44: {  	_ =	shalt  }
0x45: {  	_ =	shalt  }
0x46: {  	_ =	shalt  }
0x47: {  	_ =	shalt  }
0x48: {  	_ =	shalt  }
0x49: {  	_ =	shalt  }
0x4a: {  	_ =	shalt  }
0x4b: {  	_ =	shalt  }
0x4c: {  	_ =	shalt  }
0x4d: {  	_ =	shalt  }
0x4e: {  	_ =	shalt  }
0x4f: {  	_ =	shalt  }
0x50: {  	_ =	shalt  }
0x51: {  	_ =	shalt  }
0x52: {  	_ =	shalt  }
0x53: {  	_ =	shalt  }
0x54: {  	_ =	shalt  }
0x55: {  	_ =	shalt  }
0x56: {  	_ =	shalt  }
0x57: {  	_ =	shalt  }
0x58: {  	_ =	shalt  }
0x59: {  	_ =	shalt  }
0x5a: {  	_ =	shalt  }
0x5b: {  	_ =	shalt  }
0x5c: {  	_ =	shalt  }
0x5d: {  	_ =	shalt  }
0x5e: {  	_ =	shalt  }
0x5f: {  	_ =	shalt  }
0x60: {  	_ =	shalt  }
0x61: {  	_ =	shalt  }
0x62: {  	_ =	shalt  }
0x63: {  	_ =	shalt  }
0x64: {  	_ =	shalt  }
0x65: {  	_ =	shalt  }
0x66: {  	_ =	shalt  }
0x67: {  	_ =	shalt  }
0x68: {  	_ =	shalt  }
0x69: {  	_ =	shalt  }
0x6a: {  	_ =	shalt  }
0x6b: {  	_ =	shalt  }
0x6c: {  	_ =	shalt  }
0x6d: {  	_ =	shalt  }
0x6e: {  	_ =	shalt  }
0x6f: {  	_ =	shalt  }
0x70: {  	_ =	shalt  }
0x71: {  	_ =	shalt  }
0x72: {  	_ =	shalt  }
0x73: {  	_ =	shalt  }
0x74: {  	_ =	shalt  }
0x75: {  	_ =	shalt  }
0x76: {  	_ =	shalt  }
0x77: {  	_ =	shalt  }
0x78: {  	_ =	shalt  }
0x79: {  	_ =	shalt  }
0x7a: {  	_ =	shalt  }
0x7b: {  	_ =	shalt  }
0x7c: {  	_ =	shalt  }
0x7d: {  	_ =	shalt  }
0x7e: {  	_ =	shalt  }
0x7f: {  	_ =	shalt  }
0x80: {  	_ =	shalt  }
0x81: {  	_ =	shalt  }
0x82: {  	_ =	shalt  }
0x83: {  	_ =	shalt  }
0x84: {  	_ =	shalt  }
0x85: {  	_ =	shalt  }
0x86: {  	_ =	shalt  }
0x87: {  	_ =	shalt  }
.Lfunc_end0:
.L_simem_size_0:
called_computation.1_lowered:
.L_overlay_start_0:
0x88: {  	s2 =	sld [smem:$0x3FD9]  }
0x89: {  	s3 =	sld [smem:$0x3FFE];
	_ =	sdelay $0x1  }
0x8a: {  	s1 =	srdreg.scid  }
0x8b: {  	s0 =	sand.u32 $0x1, s1  }
0x8c: {  	s17 =	sshll.u32 s0, $0xA;
	s2 =	sadd.s32 s3, s2  }
0x8d: {  	s2 =	sadd.s32 s2, s17  }
0x8e: {  	[smem:$0x3FC6] =	sst s2  }
0x8f: {  	_ = 	snop  }
0x90: {  	s2 =	sld [smem:$0x3FD0];
	(tm) =	ssettm $0x1  }
0x91: {  	s18 =	sld [smem:$0x3FFB];
	_ =	sdelay $0x3  }
0x92: {  	_ =	strace s18  }
0x93: {  	s3 =	sld [smem:$0x3FFC];
	_ =	sdelay $0x3  }
0x94: {  	_ =	strace s3  }
0x95: {  	s3 =	sld [smem:$0x3FFD];
	_ =	sdelay $0x3  }
0x96: {  	_ =	strace s3  }
0x97: {  	_ =	strace $0x8FFFFFFF  }
0x98: {  	s19 =	sld [smem:$0x3FDB];
	_ =	sdelay $0x1  }
0x99: {  	s4 =	simm.s32 $_scs_section_size  }
0x9a: {  	s5 =	simm.s32 $_size__tile_overlayer_lowered;
	s6 =	simm.s32 $_tile_overlayer_lowered  }
0x9b: {  	s22 =	simm.s32 $0x1BFF;
	s21 =	sshll.u32 s6, $0x1;
	s3 =	sadd.s32 s4, s19  }
0x9c: {  	s7 =	simm.s32 $0x0;
	s20 =	sshll.u32 s5, $0x1;
	s5 =	sadd.s32 s21, s3  }
0x9d: {  	[timem:s7], [sflag:s22] =	dma.local [hbm:s5], s20  }
0x9e: {  	_ =	swait.ge [sflag:s22], s20  }
0x9f: {  	s4 =	ssub.s32 $0x0, s20;
	[sflag:s22] =	ssyncset.done $0x0  }
0xa0: {  	[sflag:s22] =	ssyncadd.s32 s4;
	_ =	sdelay $0x1  }
0xa1: {  	s23 =	simm.s32 $0x1B8B  }
0xa2: {  	_ =	swait.ge [sflag:s23], $0x1  }
0xa3: {  	[sflag:s23] =	ssyncset.done $0x0  }
0xa4: {  	s25 =	simm.s32 $0x1B8E;
	s24 =	sld [smem:$0x3FFE];
	[sflag:s23] =	ssyncadd.s32 $0xFFFFFFFF  }
0xa5: {  	s26 =	simm.s32 $execute0_lowered;
	[smem:$0x3FD2] =	sst s25  }
0xa6: {  	s5 =	sshll.u32 s26, $0x1;
	_ =	strace $0x80000049;
	[dreg:$0x1] =	wrdreg $0xFFFFFFFF  }
0xa7: {  	s28 =	simm.s32 $_size_execute0_lowered;
	s3 =	sadd.s32 s3, s5;
	[dreg:$0x0] =	wrdreg $0x0  }
0xa8: {  	s5 =	sshll.u32 s28, $0x1;
	[dreg:$0x2] =	wrdreg s3  }
0xa9: {  	[dreg:$0x3] =	wrdreg s5  }
0xaa: {  	[dreg:$0x4] =	wrdreg $0xC0  }
0xab: {  	_ =	task [dreg:s7], $0x5FFFF  }
0xac: {  	[dreg:$0x1] =	wrdreg $0xFFFFFFFF  }
0xad: {  	[dreg:$0x0] =	wrdreg $0x60  }
0xae: {  	[dreg:$0x2] =	wrdreg s24  }
0xaf: {  	[dreg:$0x3] =	wrdreg s2  }
0xb0: {  	[dreg:$0x4] =	wrdreg $0xA2000  }
0xb1: {  	[dreg:$0x5] =	wrdreg $0x9  }
0xb2: {  	_ =	task.clear_ibuf [dreg:s7], $0x6FFFF;
	_ =	strace $0x90000049  }
0xb3: {  	s29 =	simm.s32 $0x9;
	_ =	strace $0x8000004B  }
0xb4: {  	_ =	swait.ge [sflag:s29], $0x1  }
0xb5: {  	[sflag:s29] =	ssyncadd.s32 $0xFFFFFFFF  }
0xb6: {  	_ =	strace $0x9000004B  }
0xb7: {  	_ =	sfence  }
0xb8: {  	s30 =	sld [smem:$0x0];
	_ =	sdelay $0x2  }
0xb9: {  	s31 =	sshll.u32 s1, $0xD;
	s1 =	sshrl.u32 s1, $0x2  }
0xba: {  	s3 =	sand.u32 $0x4000, s31;
	s1 =	sadd.s32 s1, s30  }
0xbb: {  	s0 =	sor.u32 s3, s0;
	s1 =	sshll.u32 s1, $0x11  }
0xbc: {  	s0 =	sor.u32 s1, s0  }
0xbd: {  	s0 =	sadd.s32 $0x8F2B, s0  }
0xbe: {  	[sflag:s0] =	ssyncadd.remote.s32 $0x1  }
0xbf: {  	_ =	sfence.sel $0xFFFF  }
0xc0: {  	[dreg:$0x0] =	wrdreg $0xFFFFFFFF;
	(pc) =	sbr.abs _section_cstart, $3  }
0xc1: {  	[dreg:$0x1] =	wrdreg $0xFFFFFFFF  }
0xc2: {  	_ =	task.clear_ibuf [dreg:s7], $0x2FFFF;
	_ =	strace $0x9FFFFFFF  }
0xc3: {  	(tm) =	ssettm $0x7FFFFFFF  }
tec
execute0_lowered:
.L_overlay_start_1:
0x0: {  	(tag) =	ssettag $0x1  }
0x1: {  	s0 =	srdreg.scid  }
0x2: {  	s1 =	rddreg [dreg:$0x0];
	s12 =	stileid.u32  }
0x3: {  	s3 =	rddreg [dreg:$0x2];
	s4 =	simm.s32 $0x0;
	s28 =	simm.s32 $0x1  }
0x4: {  	s29 =	simm.s32 $0x7;
	s30 =	simm.s32 $0x4;
	s8 =	smul.u32 $0x14000, s12  }
0x5: {  	s31 =	simm.s32 $0x3;
	s0 =	sand.u32 $0x1, s0;
	s10 =	smul.u32 $0x50000, s12  }
0x6: {  	s6 =	sshll.u32 s12, $0x7;
	[smem:$0x7FF] =	sst s4;
	s18 =	smul.u32 $0x2850, s12  }
0x7: {  	s26 =	sshll.u32 s12, $0x6;
	s2 =	sshll.u32 s0, $0x4;
	s6 =	sand.u32 $0x380, s6  }
0x8: {  	_ =	strace $0x8000004A;
	s7 =	smul.u32 $0x140000, s0;
	s16 =	ssub.s32 $0x2, s0  }
0x9: {  	s0 =	smul.u32 $0x28500, s0;
	s2 =	sor.u32 s12, s2;
	s11 =	sshrl.u32 s16, $0x1  }
0xa: {  	s20 =	sshrl.u32 s10, $0x2;
	s5 =	sshrl.u32 s2, $0x3;
	s7 =	sadd.s32 s8, s7  }
0xb: {  	s2 =	smul.u32 $0x2850, s2;
	s17 =	ssub.s32 s16, s11;
	s15 =	sadd.s32 s20, s3  }
0xc: {  	s0 =	sadd.s32 s18, s0;
	s18 =	sor.u32 $0x1C0A, s26;
	s20 =	simm.s32 $0x2880  }
0xd: {  	s26 =	simm.s32 $0x7A00;
	s5 =	smul.u32 $0x14400, s5;
	s7 =	sshrl.u32 s7, $0x3  }
0xe: {  	s21 =	sadd.s32 $0x140, s0;
	s22 =	smax.u32 s17, $0x1;
	s23 =	sadd.s32 $0xA0, s0  }
0xf: {  	s0 =	sadd.s32 $0xF0, s0;
	s17 =	simm.s32 $0xA;
	[dreg:$0x8] =	wrdreg s22  }
0x10: {  	s2 =	sshrl.u32 s2, $0x3;
	[dreg:$0x9] =	wrdreg s0;
	s6 =	sor.u32 s6, s5  }
0x11: {  	s25 =	sshrl.u32 s23, $0x3;
	s22 =	simm.s32 $0x2A00;
	s6 =	sshrl.u32 s6, $0x3  }
0x12: {  	s5 =	sadd.s32 $0x68A00, s1;
	s9 =	sadd.s32 s6, s1;
	s6 =	sadd.s32 $0x54600, s1  }
0x13: {  	s1 =	sadd.s32 s7, s1;
	s19 =	sadd.s32 $0x5E800, s9;
	s2 =	sadd.s32 s6, s2  }
0x14: {  	s1 =	sadd.s32 $0x90A00, s1;
	s14 =	sadd.s32 s25, s6;
	[dreg:$0x4] =	wrdreg s19  }
0x15: {  	s25 =	simm.s32 $0x2980;
	[dreg:$0x5] =	wrdreg s2;
	s2 =	sadd.s32 $0xA, s2  }
0x16: {  	[dreg:$0x7] =	wrdreg s1;
	s1 =	sshrl.u32 s21, $0x3;
	s19 =	sshrl.u32 s15, $0x3  }
0x17: {  	s21 =	simm.s32 $0x50;
	[dreg:$0x6] =	wrdreg s2;
	s24 =	sadd.s32 s1, s6  }
0x18: {  	s1 =	simm.s32 $0x9;
	s2 =	simm.s32 $0x0;
	[dreg:$0xa] =	wrdreg s24  }
.LBB2_1:
0x19: {  	s0 =	rddreg [dreg:$0x4];
	s7 =	simm.s32 $0x80;
	s8 =	simm.s32 $0x400  }
0x1a: {  	[tilespmem:s4], [sflag:$0xA] =	stream.strided.gather [hbm4b:s0+s7], $0x2880, s8, s7, $0x38;
	[tilespmem:$0x1E200] =	vst v63  }
0x1b: {  	_ =	swait.ge [sflag:s17], $0x2880  }
0x1c: {  	[sflag:s17] =	ssyncset.done $0x0  }
0x1d: {  	[sflag:s17] =	ssyncadd.s32 $0xFFFFD780  }
0x1e: {  	s12 =	rddreg [dreg:$0x1]  }
0x1f: {  	[spmem:s19], [sflag:s18] =	dma.local [hbm:s12], $0x2800  }
0x20: {  	_ =	swait.ge [sflag:s17], $0x2800  }
0x21: {  	[sflag:s17] =	ssyncset.done $0x0  }
0x22: {  	[sflag:s17] =	ssyncadd.s32 $0xFFFFD800  }
0x23: {  	[bflag:$0x0] =	sbarrier.arrive $0xFFFF  }
0x24: {  	s13 =	rddreg [dreg:$0x5]  }
0x25: {  	[tilespmem:s20], [sflag:$0x7] =	stream.linear.gather [hbm4b:s13+s4], $0x50, $0x38;
	[tilespmem:$0x1E200] =	vst v63  }
0x26: {  	_ = 	snop  }
0x27: {  	[tilespmem:s22], [sflag:$0x1] =	stream.indirect.gather [hbm4b:s5+s21], $0x80, s4, s21, $0xb8;
	[tilespmem:$0x1E200] =	vst v63  }
0x28: {  	s16 =	simm.s32 $0x2900;
	p0 =	por $0x1, $0x1;
	s15 =	rddreg [dreg:$0x6]  }
0x29: {  	[tilespmem:s16], [sflag:$0x8] =	stream.linear.gather [hbm4b:s15+s4], $0x50, $0x38;
	[tilespmem:$0x1E200] =	vst v63  }
0x2a: {  	s23 =	simm.s32 $0x5200;
	s7 =	simm.s32 @!p0 $0x6  }
0x2b: {  	[tilespmem:s23], [sflag:$0x2] =	stream.indirect.gather [hbm4b:s5+s21], $0x80, s21, s21, $0xb8;
	[tilespmem:$0x1E200] =	vst v63  }
0x2c: {  	_ =	swait.ge @!p0 [sflag:s7], $0x2800  }
0x2d: {  	[sflag:s7] =	ssyncset.done @!p0 $0x0  }
0x2e: {  	[sflag:s7] =	ssyncadd.s32 @!p0 $0xFFFFD800  }
0x2f: {  	[tilespmem:s25], [sflag:$0x9] =	stream.linear.gather [hbm4b:s14+s4], $0x50, $0x38;
	[tilespmem:$0x1E200] =	vst v63  }
0x30: {  	s24 =	simm.s32 $0xA0  }
0x31: {  	[tilespmem:s26], [sflag:$0x3] =	stream.indirect.gather [hbm4b:s5+s21], $0x80, s24, s21, $0xb8;
	[tilespmem:$0x1E200] =	vst v63  }
0x32: {  	_ =	swait.ge [sflag:s28], $0x2800  }
0x33: {  	[sflag:s28] =	ssyncset.done $0x0  }
0x34: {  	[sflag:s28] =	ssyncadd.s32 $0xFFFFD800  }
0x35: {  	_ =	swait.ge [sflag:s29], $0x50  }
0x36: {  	[sflag:s29] =	ssyncset.done $0x0  }
0x37: {  	[sflag:s29] =	ssyncadd.s32 $0xFFFFFFB0  }
0x38: {  	[spmem:s3] =	stream.indirect.scatter.add.f32 [tilespmem:s22], [sflag:$0x4], $0x80, s20, s21, $0xb8;
	[tilespmem:$0x1E200] =	vst v63  }
0x39: {  	_ =	swait.ge [sflag:s30], $0x2800  }
0x3a: {  	p0 =	por $0x0, $0x0;
	[sflag:s30] =	ssyncset.done $0x0  }
0x3b: {  	s7 =	simm.s32 @p0 $0x2;
	[sflag:s30] =	ssyncadd.s32 $0xFFFFD800  }
0x3c: {  	_ =	swait.ge @p0 [sflag:s7], $0x2800  }
0x3d: {  	[sflag:s7] =	ssyncset.done @p0 $0x0  }
0x3e: {  	[sflag:s7] =	ssyncadd.s32 @p0 $0xFFFFD800;
	s7 =	simm.s32 @p0 $0x8  }
0x3f: {  	_ =	swait.ge @p0 [sflag:s7], $0x50  }
0x40: {  	s15 =	simm.s32 @p0 $0x5200;
	s16 =	simm.s32 @p0 $0x5;
	[sflag:s7] =	ssyncset.done @p0 $0x0  }
0x41: {  	s23 =	simm.s32 @p0 $0x2900;
	[sflag:s7] =	ssyncadd.s32 @p0 $0xFFFFFFB0;
	s7 =	simm.s32 @p0 $0x50  }
0x42: {  	[spmem:s3] =	stream.indirect.scatter.add.f32 @p0 [tilespmem:s15], [sflag:$0x5], $0x80, s23, s7, $0xb8;
	[tilespmem:$0x1E200] =	vst v63  }
0x43: {  	s24 =	simm.s32 @!p0 $0x2;
	s0 =	rddreg [dreg:$0x9];
	_ =	swait.ge @p0 [sflag:s16], $0x2800  }
0x44: {  	s7 =	sshrl.u32 @!p0 s0, $0x3;
	s23 =	simm.s32 @!p0 $0x2880;
	[sflag:s16] =	ssyncset.done @p0 $0x0  }
0x45: {  	s7 =	sadd.s32 @!p0 s6, s7;
	[sflag:s16] =	ssyncadd.s32 @p0 $0xFFFFD800;
	s16 =	simm.s32 @!p0 $0x0  }
0x46: {  	[tilespmem:s23], [sflag:$0x7] =	stream.linear.gather @!p0 [hbm4b:s7+s16], $0x50, $0x38;
	[tilespmem:$0x1E200] =	vst v63  }
0x47: {  	s15 =	simm.s32 @!p0 $0xF0;
	s7 =	simm.s32 @!p0 $0x50;
	s23 =	simm.s32 @!p0 $0x2A00  }
0x48: {  	[tilespmem:s23], [sflag:$0x1] =	stream.indirect.gather @!p0 [hbm4b:s5+s7], $0x80, s15, s7, $0xb8;
	[tilespmem:$0x1E200] =	vst v63  }
0x49: {  	_ =	swait.ge @!p0 [sflag:s24], $0x2800  }
0x4a: {  	[sflag:s24] =	ssyncset.done @!p0 $0x0  }
0x4b: {  	s15 =	simm.s32 @!p0 $0x8;
	[sflag:s24] =	ssyncadd.s32 @!p0 $0xFFFFD800  }
0x4c: {  	_ =	swait.ge @!p0 [sflag:s15], $0x50  }
0x4d: {  	s23 =	simm.s32 @!p0 $0x5;
	[sflag:s15] =	ssyncset.done @!p0 $0x0  }
0x4e: {  	s24 =	simm.s32 @!p0 $0x5200;
	[sflag:s15] =	ssyncadd.s32 @!p0 $0xFFFFFFB0;
	s15 =	simm.s32 @!p0 $0x2900  }
0x4f: {  	[spmem:s3] =	stream.indirect.scatter.add.f32 @!p0 [tilespmem:s24], [sflag:$0x5], $0x80, s15, s7, $0xb8;
	[tilespmem:$0x1E200] =	vst v63  }
0x50: {  	_ =	swait.ge @!p0 [sflag:s23], $0x2800  }
0x51: {  	[sflag:s23] =	ssyncset.done @!p0 $0x0  }
0x52: {  	s8 =	rddreg [dreg:$0xa];
	[sflag:s23] =	ssyncadd.s32 @!p0 $0xFFFFD800  }
0x53: {  	[tilespmem:s15], [sflag:$0x8] =	stream.linear.gather @!p0 [hbm4b:s8+s16], $0x50, $0x38;
	[tilespmem:$0x1E200] =	vst v63  }
0x54: {  	s15 =	simm.s32 @!p0 $0x140  }
0x55: {  	[tilespmem:s24], [sflag:$0x2] =	stream.indirect.gather @!p0 [hbm4b:s5+s7], $0x80, s15, s7, $0xb8;
	[tilespmem:$0x1E200] =	vst v63  }
0x56: {  	_ =	swait.ge [sflag:s31], $0x2800  }
0x57: {  	[sflag:s31] =	ssyncset.done $0x0  }
0x58: {  	p1 =	por $0x0, $0x0;
	s23 =	sadd.s32 $0xF0, s0;
	[sflag:s31] =	ssyncadd.s32 $0xFFFFD800  }
0x59: {  	s16 =	simm.s32 $0x3C0;
	s7 =	simm.s32 $0x780;
	_ =	swait.ge [sflag:s1], $0x50  }
0x5a: {  	s15 =	sadd.s32 $0x1E, s8;
	s24 =	sadd.s32 $0x1E, s14;
	[sflag:s1] =	ssyncset.done $0x0  }
.LBB2_2:
0x5b: {  	s9 =	simm.s32 @!p1 $0x6  }
0x5c: {  	[sflag:s1] =	ssyncadd.s32 $0xFFFFFFB0;
	s10 =	smov.u32 s7;
	s7 =	sadd.s32 $0x3C0, s7  }
0x5d: {  	[spmem:s3] =	stream.indirect.scatter.add.f32 [tilespmem:s26], [sflag:$0x6], $0x80, s25, s21, $0xb8;
	[tilespmem:$0x1E200] =	vst v63  }
0x5e: {  	p0 =	sne.s32 s7, $0xA140;
	_ =	swait.ge @!p1 [sflag:s9], $0x2800  }
0x5f: {  	[sflag:s9] =	ssyncset.done @!p1 $0x0  }
0x60: {  	[sflag:s9] =	ssyncadd.s32 @!p1 $0xFFFFD800;
	s9 =	sshra.s32 s16, $0x2  }
0x61: {  	[tilespmem:s25], [sflag:$0x9] =	stream.linear.gather [hbm4b:s24+s4], $0x50, $0x38;
	[tilespmem:$0x1E200] =	vst v63  }
0x62: {  	s9 =	sadd.s32 $0xA0, s9  }
0x63: {  	[tilespmem:s26], [sflag:$0x3] =	stream.indirect.gather [hbm4b:s5+s21], $0x80, s9, s21, $0xb8;
	[tilespmem:$0x1E200] =	vst v63  }
0x64: {  	_ =	swait.ge [sflag:s28], $0x2800  }
0x65: {  	[sflag:s28] =	ssyncset.done $0x0  }
0x66: {  	[sflag:s28] =	ssyncadd.s32 $0xFFFFD800  }
0x67: {  	_ =	swait.ge [sflag:s29], $0x50  }
0x68: {  	[sflag:s29] =	ssyncset.done $0x0  }
0x69: {  	[sflag:s29] =	ssyncadd.s32 $0xFFFFFFB0  }
0x6a: {  	[spmem:s3] =	stream.indirect.scatter.add.f32 [tilespmem:s22], [sflag:$0x4], $0x80, s20, s21, $0xb8;
	[tilespmem:$0x1E200] =	vst v63  }
0x6b: {  	_ =	swait.ge [sflag:s30], $0x2800  }
0x6c: {  	p1 =	seq.s32 s16, $0x9D80;
	[sflag:s30] =	ssyncset.done $0x0  }
0x6d: {  	s11 =	sshrl.u32 @!p1 s23, $0x3;
	s9 =	simm.s32 @p1 $0x2;
	[sflag:s30] =	ssyncadd.s32 $0xFFFFD800  }
0x6e: {  	s16 =	sshra.s32 @!p1 s16, $0x2;
	s11 =	sadd.s32 @!p1 s6, s11;
	_ =	swait.ge @p1 [sflag:s9], $0x2800  }
0x6f: {  	s8 =	sadd.s32 @!p1 $0xF0, s16;
	s0 =	sadd.s32 @!p1 $0x140, s16;
	[sflag:s9] =	ssyncset.done @p1 $0x0  }
0x70: {  	s16 =	smov.u32 s10;
	[sflag:s9] =	ssyncadd.s32 @p1 $0xFFFFD800;
	s9 =	simm.s32 @p1 $0x8  }
0x71: {  	_ =	swait.ge @p1 [sflag:s9], $0x50  }
0x72: {  	s12 =	simm.s32 @p1 $0x5;
	s10 =	simm.s32 @p1 $0x5200;
	[sflag:s9] =	ssyncset.done @p1 $0x0  }
0x73: {  	s13 =	simm.s32 @p1 $0x2900;
	[sflag:s9] =	ssyncadd.s32 @p1 $0xFFFFFFB0;
	s9 =	simm.s32 @p1 $0x50  }
0x74: {  	[spmem:s3] =	stream.indirect.scatter.add.f32 @p1 [tilespmem:s10], [sflag:$0x5], $0x80, s13, s9, $0xb8;
	[tilespmem:$0x1E200] =	vst v63  }
0x75: {  	_ =	swait.ge @p1 [sflag:s12], $0x2800  }
0x76: {  	[sflag:s12] =	ssyncset.done @p1 $0x0  }
0x77: {  	s9 =	simm.s32 @!p1 $0x0;
	s10 =	simm.s32 @!p1 $0x2880;
	[sflag:s12] =	ssyncadd.s32 @p1 $0xFFFFD800  }
0x78: {  	[tilespmem:s10], [sflag:$0x7] =	stream.linear.gather @!p1 [hbm4b:s11+s9], $0x50, $0x38;
	[tilespmem:$0x1E200] =	vst v63  }
0x79: {  	s12 =	simm.s32 @!p1 $0x2;
	s10 =	simm.s32 @!p1 $0x50;
	s11 =	simm.s32 @!p1 $0x2A00  }
0x7a: {  	[tilespmem:s11], [sflag:$0x1] =	stream.indirect.gather @!p1 [hbm4b:s5+s10], $0x80, s8, s10, $0xb8;
	[tilespmem:$0x1E200] =	vst v63  }
0x7b: {  	_ =	swait.ge @!p1 [sflag:s12], $0x2800  }
0x7c: {  	[sflag:s12] =	ssyncset.done @!p1 $0x0  }
0x7d: {  	s8 =	simm.s32 @!p1 $0x8;
	[sflag:s12] =	ssyncadd.s32 @!p1 $0xFFFFD800  }
0x7e: {  	_ =	swait.ge @!p1 [sflag:s8], $0x50  }
0x7f: {  	s11 =	simm.s32 @!p1 $0x5;
	[sflag:s8] =	ssyncset.done @!p1 $0x0  }
0x80: {  	s12 =	simm.s32 @!p1 $0x5200;
	[sflag:s8] =	ssyncadd.s32 @!p1 $0xFFFFFFB0;
	s8 =	simm.s32 @!p1 $0x2900  }
0x81: {  	[spmem:s3] =	stream.indirect.scatter.add.f32 @!p1 [tilespmem:s12], [sflag:$0x5], $0x80, s8, s10, $0xb8;
	[tilespmem:$0x1E200] =	vst v63  }
0x82: {  	_ =	swait.ge @!p1 [sflag:s11], $0x2800  }
0x83: {  	[sflag:s11] =	ssyncset.done @!p1 $0x0  }
0x84: {  	[sflag:s11] =	ssyncadd.s32 @!p1 $0xFFFFD800  }
0x85: {  	[tilespmem:s8], [sflag:$0x8] =	stream.linear.gather @!p1 [hbm4b:s15+s9], $0x50, $0x38;
	[tilespmem:$0x1E200] =	vst v63  }
0x86: {  	_ = 	snop  }
0x87: {  	[tilespmem:s12], [sflag:$0x2] =	stream.indirect.gather @!p1 [hbm4b:s5+s10], $0x80, s0, s10, $0xb8;
	[tilespmem:$0x1E200] =	vst v63  }
.Ltmp0:
0x88: {  	_ =	swait.ge [sflag:s31], $0x2800;
	(pc) =	sbr.rel @p0 .LBB2_2-.Ltmp0, $4  }
0x89: {  	[sflag:s31] =	ssyncset.done $0x0  }
0x8a: {  	[sflag:s31] =	ssyncadd.s32 $0xFFFFD800  }
0x8b: {  	s24 =	sadd.s32 $0x1E, s24;
	s15 =	sadd.s32 $0x1E, s15;
	_ =	swait.ge [sflag:s1], $0x50  }
0x8c: {  	s23 =	sadd.s32 $0xF0, s23;
	p1 =	seq.s32 s16, $0x0;
	[sflag:s1] =	ssyncset.done $0x0  }
0x8d: {  	s0 =	simm.s32 @!p1 $0x6;
	[sflag:s1] =	ssyncadd.s32 $0xFFFFFFB0  }
0x8e: {  	[spmem:s3] =	stream.indirect.scatter.add.f32 [tilespmem:s26], [sflag:$0x6], $0x80, s25, s21, $0xb8;
	[tilespmem:$0x1E200] =	vst v63  }
0x8f: {  	_ =	swait.ge @!p1 [sflag:s0], $0x2800  }
0x90: {  	[sflag:s0] =	ssyncset.done @!p1 $0x0  }
0x91: {  	s13 =	sshra.s32 s16, $0x2;
	[sflag:s0] =	ssyncadd.s32 @!p1 $0xFFFFD800  }
0x92: {  	[tilespmem:s25], [sflag:$0x9] =	stream.linear.gather [hbm4b:s24+s4], $0x50, $0x38;
	[tilespmem:$0x1E200] =	vst v63  }
0x93: {  	s0 =	sadd.s32 $0xA0, s13  }
0x94: {  	[tilespmem:s26], [sflag:$0x3] =	stream.indirect.gather [hbm4b:s5+s21], $0x80, s0, s21, $0xb8;
	[tilespmem:$0x1E200] =	vst v63  }
0x95: {  	_ =	swait.ge [sflag:s28], $0x2800  }
0x96: {  	[sflag:s28] =	ssyncset.done $0x0  }
0x97: {  	[sflag:s28] =	ssyncadd.s32 $0xFFFFD800  }
0x98: {  	_ =	swait.ge [sflag:s29], $0x50  }
0x99: {  	[sflag:s29] =	ssyncset.done $0x0  }
0x9a: {  	[sflag:s29] =	ssyncadd.s32 $0xFFFFFFB0  }
0x9b: {  	[spmem:s3] =	stream.indirect.scatter.add.f32 [tilespmem:s22], [sflag:$0x4], $0x80, s20, s21, $0xb8;
	[tilespmem:$0x1E200] =	vst v63  }
0x9c: {  	_ =	swait.ge [sflag:s30], $0x2800  }
0x9d: {  	p0 =	seq.s32 s16, $0x9D80;
	[sflag:s30] =	ssyncset.done $0x0  }
0x9e: {  	s0 =	simm.s32 @p0 $0x2;
	[sflag:s30] =	ssyncadd.s32 $0xFFFFD800  }
0x9f: {  	_ =	swait.ge @p0 [sflag:s0], $0x2800  }
0xa0: {  	[sflag:s0] =	ssyncset.done @p0 $0x0  }
0xa1: {  	[sflag:s0] =	ssyncadd.s32 @p0 $0xFFFFD800;
	s0 =	simm.s32 @p0 $0x8  }
0xa2: {  	_ =	swait.ge @p0 [sflag:s0], $0x50  }
0xa3: {  	s7 =	simm.s32 @p0 $0x5200;
	s8 =	simm.s32 @p0 $0x5;
	[sflag:s0] =	ssyncset.done @p0 $0x0  }
0xa4: {  	s9 =	simm.s32 @p0 $0x2900;
	[sflag:s0] =	ssyncadd.s32 @p0 $0xFFFFFFB0;
	s0 =	simm.s32 @p0 $0x50  }
0xa5: {  	[spmem:s3] =	stream.indirect.scatter.add.f32 @p0 [tilespmem:s7], [sflag:$0x5], $0x80, s9, s0, $0xb8;
	[tilespmem:$0x1E200] =	vst v63  }
0xa6: {  	s10 =	simm.s32 @!p0 $0x2880;
	s11 =	simm.s32 @!p0 $0x2;
	_ =	swait.ge @p0 [sflag:s8], $0x2800  }
0xa7: {  	s0 =	sshrl.u32 @!p0 s23, $0x3;
	s7 =	sshra.s32 @!p0 s16, $0x2;
	[sflag:s8] =	ssyncset.done @p0 $0x0  }
0xa8: {  	s0 =	sadd.s32 @!p0 s6, s0;
	[sflag:s8] =	ssyncadd.s32 @p0 $0xFFFFD800;
	s8 =	simm.s32 @!p0 $0x0  }
0xa9: {  	[tilespmem:s10], [sflag:$0x7] =	stream.linear.gather @!p0 [hbm4b:s0+s8], $0x50, $0x38;
	[tilespmem:$0x1E200] =	vst v63  }
0xaa: {  	s9 =	sadd.s32 @!p0 $0xF0, s7;
	s0 =	simm.s32 @!p0 $0x50;
	s10 =	simm.s32 @!p0 $0x2A00  }
0xab: {  	[tilespmem:s10], [sflag:$0x1] =	stream.indirect.gather @!p0 [hbm4b:s5+s0], $0x80, s9, s0, $0xb8;
	[tilespmem:$0x1E200] =	vst v63  }
0xac: {  	_ =	swait.ge @!p0 [sflag:s11], $0x2800  }
0xad: {  	[sflag:s11] =	ssyncset.done @!p0 $0x0  }
0xae: {  	s9 =	simm.s32 @!p0 $0x8;
	[sflag:s11] =	ssyncadd.s32 @!p0 $0xFFFFD800  }
0xaf: {  	_ =	swait.ge @!p0 [sflag:s9], $0x50  }
0xb0: {  	s10 =	simm.s32 @!p0 $0x5;
	[sflag:s9] =	ssyncset.done @!p0 $0x0  }
0xb1: {  	s11 =	simm.s32 @!p0 $0x5200;
	[sflag:s9] =	ssyncadd.s32 @!p0 $0xFFFFFFB0;
	s9 =	simm.s32 @!p0 $0x2900  }
0xb2: {  	[spmem:s3] =	stream.indirect.scatter.add.f32 @!p0 [tilespmem:s11], [sflag:$0x5], $0x80, s9, s0, $0xb8;
	[tilespmem:$0x1E200] =	vst v63  }
0xb3: {  	_ =	swait.ge @!p0 [sflag:s10], $0x2800  }
0xb4: {  	[sflag:s10] =	ssyncset.done @!p0 $0x0  }
0xb5: {  	[sflag:s10] =	ssyncadd.s32 @!p0 $0xFFFFD800  }
0xb6: {  	[tilespmem:s9], [sflag:$0x8] =	stream.linear.gather @!p0 [hbm4b:s15+s8], $0x50, $0x38;
	[tilespmem:$0x1E200] =	vst v63  }
0xb7: {  	s7 =	sadd.s32 @!p0 $0x140, s7  }
0xb8: {  	[tilespmem:s11], [sflag:$0x2] =	stream.indirect.gather @!p0 [hbm4b:s5+s0], $0x80, s7, s0, $0xb8;
	[tilespmem:$0x1E200] =	vst v63  }
0xb9: {  	_ =	swait.ge [sflag:s31], $0x2800  }
0xba: {  	[sflag:s31] =	ssyncset.done $0x0  }
0xbb: {  	[sflag:s31] =	ssyncadd.s32 $0xFFFFD800  }
0xbc: {  	_ =	swait.ge [sflag:s1], $0x50  }
0xbd: {  	[sflag:s1] =	ssyncset.done $0x0  }
0xbe: {  	s16 =	simm.s32 $0x6;
	[sflag:s1] =	ssyncadd.s32 $0xFFFFFFB0  }
0xbf: {  	[spmem:s3] =	stream.indirect.scatter.add.f32 [tilespmem:s26], [sflag:$0x6], $0x80, s25, s21, $0xb8;
	[tilespmem:$0x1E200] =	vst v63  }
0xc0: {  	_ =	swait.ge [sflag:s16], $0x2800  }
0xc1: {  	[sflag:s16] =	ssyncset.done $0x0  }
0xc2: {  	[sflag:s16] =	ssyncadd.s32 $0xFFFFD800  }
0xc3: {  	[bflag:$0x0] =	sbarrier.arrive $0xFFFF  }
0xc4: {  	s23 =	rddreg [dreg:$0x7]  }
0xc5: {  	[hbm:s23], [sflag:s18] =	dma.local [spmem:s19], $0x2800  }
0xc6: {  	_ =	swait.ge [sflag:s17], $0x2800  }
0xc7: {  	s2 =	sadd.s32 $0x1, s2;
	s24 =	rddreg [dreg:$0x8]  }
0xc8: {  	p0 =	sne.s32 s2, s24  }
.Ltmp1:
0xc9: {  	_ = 	snop;
	(pc) =	sbr.rel @p0 .LBB2_1-.Ltmp1, $3  }
0xca: {  	_ =	sdelay $0x1  }
0xcb: {  	[sflag:s17] =	ssyncset.done $0x0  }
0xcc: {  	[sflag:s17] =	ssyncadd.s32 $0xFFFFD800  }
0xcd: {  	_ =	sfence.sel $0x180000  }
0xce: {  	[bflag:$0x0] =	sbarrier.arrive $0xFFFF  }
0xcf: {  	_ =	strace $0x9000004A  }
0xd0: {  	s0 =	stileid.u32;
	[bflag:$0x2] =	sbarrier.arrive $0xFFFF  }
0xd1: {  	p0 =	sne.s32 s0, $0x0;
	s0 =	rddreg [dreg:$0x3]  }
0xd2: {  	s0 =	sadd.s32 @!p0 $0x100000, s0  }
0xd3: {  	[sflag:s0] =	ssyncadd.tile.s32 @!p0 $0x1;
	_ =	shalt  }
.Lfunc_end2:
_tile_overlayer_lowered:
.L_overlay_start_2:
0xd4: {  	(tag) =	ssettag $0x2  }
0xd5: {  	s0 =	rddreg [dreg:$0x0];
	s2 =	stileid.u32  }
0xd6: {  	s1 =	rddreg [dreg:$0x1];
	p0 =	sne.s32 s2, $0x0  }
0xd7: {  	s3 =	rddreg [dreg:$0x2];
	[bflag:$0x3] =	sbarrier.arrive $0xFFFF;
	s2 =	simm.s32 @!p0 $0x1C0A  }
0xd8: {  	[timem:s3], [sflag:s2] =	dma.local @!p0 [hbm:s0], s1  }
0xd9: {  	s0 =	simm.s32 @!p0 $0xA  }
0xda: {  	_ =	swait.ge @!p0 [sflag:s0], s1  }
0xdb: {  	s1 =	ssub.s32 @!p0 $0x0, s1;
	[sflag:s0] =	ssyncset.done @!p0 $0x0  }
0xdc: {  	[sflag:s0] =	ssyncadd.s32 @!p0 s1  }
0xdd: {  	[bflag:$0x3] =	sbarrier.arrive $0xFFFF  }
0xde: {  	_ =	shalt  }

// kernel: kernel.14.cloned.1.call-start
scs
__scs_entry_jumppad:
0x0: {  	(pc) =	sbr.rel $0x88, $3  }
0x1: {  	(tag) =	ssettag $0x0;
	lr =	simm.s32 $0x1  }
0x2: {  	[smem:$0x3F9F] =	sst lr;
	_ =	strace $0xD0000000  }
0x3: {  	_ = 	snop  }
0x4: {  	_ = 	snop  }
0x5: {  	_ = 	snop  }
0x6: {  	_ = 	snop  }
0x7: {  	_ = 	snop  }
__scs_overlays_trampoline_lowered:
0x8: {  	[smem:$0x3FAE] =	sst s0  }
0x9: {  	[smem:$0x3FAF] =	sst s1  }
0xa: {  	[smem:$0x3FB0] =	sst s2  }
0xb: {  	[smem:$0x3FB1] =	sst s3  }
0xc: {  	[smem:$0x3FB2] =	sst s4  }
0xd: {  	[smem:$0x3FB3] =	sst s5  }
0xe: {  	[smem:$0x3FB4] =	sst s6  }
0xf: {  	[smem:$0x3FB5] =	sst s7  }
0x10: {  	[smem:$0x3FB6] =	sst s8  }
0x11: {  	[smem:$0x3FB7] =	sst s9;
	s0 =	simm.s32 @!p0 $0x0  }
0x12: {  	s1 =	sld [smem:$0x3F9D];
	s0 =	simm.s32 @p0 $0x1  }
0x13: {  	[smem:$0x3FB8] =	sst s0;
	s0 =	simm.s32 @!p1 $0x0  }
0x14: {  	s2 =	sld [smem:$0x3F9C];
	s0 =	simm.s32 @p1 $0x1  }
0x15: {  	[smem:$0x3FB9] =	sst s0;
	s0 =	simm.s32 @!p2 $0x0  }
0x16: {  	s3 =	sld [smem:$0x3FDB];
	s0 =	simm.s32 @p2 $0x1  }
0x17: {  	s4 =	simm.s32 $0x1BF5;
	[smem:$0x3FBB] =	sst s0  }
0x18: {  	s0 =	sld [smem:$0x3F9E];
	_ =	swait.ge [sflag:s4], $0x0  }
0x19: {  	s7 =	sld [smem:$0x3F9F]  }
0x1a: {  	s8 =	sadd.s32 $0xFFFFE003, lr  }
0x1b: {  	s9 =	sadd.s32 $0xFFFFFEF7, lr;
	s5 =	simm.s32 $0xFFFFFFFF;
	p2 =	slt.u32 s8, $0xFFFFF086  }
0x1c: {  	p1 =	slt.u32 s9, $0xF7A;
	s5 =	simm.s32 @!p2 $0x0  }
0x1d: {  	s5 =	simm.s32 @p1 $0x1;
	p0 =	seq.s32 s7, s2  }
0x1e: {  	s7 =	smul.u32 @!p0 $0xF7A, s2;
	p2 =	seq.s32 @!p0 s5, $0x0  }
0x1f: {  	s9 =	smul.u32 $0xF7A, s1;
	s8 =	simm.s32 @!p0 $0x1BF5;
	p2 =	por !p2, p0  }
0x20: {  	[sflag:s8] =	ssyncset.s32 @!p0 $0xFFFFF086;
	s6 =	sadd.s32 @!p0 s3, s7;
	s7 =	simm.s32 @!p0 $0x108  }
0x21: {  	s3 =	sadd.s32 s3, s9;
	s6 =	sadd.s32 @!p0 $0x88, s6;
	s7 =	simm.s32 @p2 $0x1082  }
0x22: {  	[simem:s7], [sflag:s8] =	dma.local @!p0 [hbm:s6], $0xF7A  }
0x23: {  	s9 =	sor.u32 $0xD0000000, s2;
	s6 =	simm.s32 $0x108;
	_ =	swait.ge @!p0 [sflag:s8], $0x0  }
0x24: {  	s3 =	sadd.s32 $0x88, s3;
	s6 =	simm.s32 @!p1 $0x1082;
	[sflag:s4] =	ssyncset.s32 $0xFFFFF086  }
0x25: {  	[simem:s6], [sflag:s4] =	dma.local [hbm:s3], $0xF7A  }
0x26: {  	[smem:$0x3F9F] =	sst s1;
	(tag) =	ssettag s2;
	_ =	strace s9  }
0x27: {  	s1 =	sld [smem:$0x3FAF]  }
0x28: {  	s2 =	sld [smem:$0x3FB0]  }
0x29: {  	s4 =	sld [smem:$0x3FB2]  }
0x2a: {  	p0 =	seq.s32 s5, $0x0;
	s5 =	sld [smem:$0x3FB3]  }
0x2b: {  	s6 =	sld [smem:$0x3FB4]  }
0x2c: {  	s7 =	sld [smem:$0x3FB5]  }
0x2d: {  	s3 =	simm.s32 $0x108;
	s8 =	sld [smem:$0x3FB6]  }
0x2e: {  	s3 =	simm.s32 @!p0 $0x1082;
	s9 =	sld [smem:$0x3FB7]  }
0x2f: {  	lr =	sadd.s32 s0, s3;
	s0 =	sld [smem:$0x3FAE]  }
0x30: {  	s3 =	sld [smem:$0x3FB1]  }
0x31: {  	[smem:$0x3FBA] =	sst s10  }
0x32: {  	s10 =	sld [smem:$0x3FB8];
	_ =	sdelay $0x3  }
0x33: {  	p0 =	seq.s32 s10, $0x1;
	s10 =	sld [smem:$0x3FBA];
	_ =	sdelay $0x3  }
0x34: {  	[smem:$0x3FBA] =	sst s10  }
0x35: {  	s10 =	sld [smem:$0x3FB9];
	_ =	sdelay $0x3  }
0x36: {  	p1 =	seq.s32 s10, $0x1;
	s10 =	sld [smem:$0x3FBA];
	_ =	sdelay $0x3  }
0x37: {  	[smem:$0x3FBA] =	sst s10  }
0x38: {  	s10 =	sld [smem:$0x3FBB]  }
0x39: {  	_ = 	snop;
	(pc) =	sbr.ind lr, $3  }
0x3a: {  	_ = 	snop  }
0x3b: {  	_ = 	snop  }
0x3c: {  	p2 =	seq.s32 s10, $0x1;
	s10 =	sld [smem:$0x3FBA]  }
0x3d: {  	_ =	shalt  }
0x3e: {  	_ =	shalt  }
0x3f: {  	_ =	shalt  }
0x40: {  	_ =	shalt  }
0x41: {  	_ =	shalt  }
0x42: {  	_ =	shalt  }
0x43: {  	_ =	shalt  }
0x44: {  	_ =	shalt  }
0x45: {  	_ =	shalt  }
0x46: {  	_ =	shalt  }
0x47: {  	_ =	shalt  }
0x48: {  	_ =	shalt  }
0x49: {  	_ =	shalt  }
0x4a: {  	_ =	shalt  }
0x4b: {  	_ =	shalt  }
0x4c: {  	_ =	shalt  }
0x4d: {  	_ =	shalt  }
0x4e: {  	_ =	shalt  }
0x4f: {  	_ =	shalt  }
0x50: {  	_ =	shalt  }
0x51: {  	_ =	shalt  }
0x52: {  	_ =	shalt  }
0x53: {  	_ =	shalt  }
0x54: {  	_ =	shalt  }
0x55: {  	_ =	shalt  }
0x56: {  	_ =	shalt  }
0x57: {  	_ =	shalt  }
0x58: {  	_ =	shalt  }
0x59: {  	_ =	shalt  }
0x5a: {  	_ =	shalt  }
0x5b: {  	_ =	shalt  }
0x5c: {  	_ =	shalt  }
0x5d: {  	_ =	shalt  }
0x5e: {  	_ =	shalt  }
0x5f: {  	_ =	shalt  }
0x60: {  	_ =	shalt  }
0x61: {  	_ =	shalt  }
0x62: {  	_ =	shalt  }
0x63: {  	_ =	shalt  }
0x64: {  	_ =	shalt  }
0x65: {  	_ =	shalt  }
0x66: {  	_ =	shalt  }
0x67: {  	_ =	shalt  }
0x68: {  	_ =	shalt  }
0x69: {  	_ =	shalt  }
0x6a: {  	_ =	shalt  }
0x6b: {  	_ =	shalt  }
0x6c: {  	_ =	shalt  }
0x6d: {  	_ =	shalt  }
0x6e: {  	_ =	shalt  }
0x6f: {  	_ =	shalt  }
0x70: {  	_ =	shalt  }
0x71: {  	_ =	shalt  }
0x72: {  	_ =	shalt  }
0x73: {  	_ =	shalt  }
0x74: {  	_ =	shalt  }
0x75: {  	_ =	shalt  }
0x76: {  	_ =	shalt  }
0x77: {  	_ =	shalt  }
0x78: {  	_ =	shalt  }
0x79: {  	_ =	shalt  }
0x7a: {  	_ =	shalt  }
0x7b: {  	_ =	shalt  }
0x7c: {  	_ =	shalt  }
0x7d: {  	_ =	shalt  }
0x7e: {  	_ =	shalt  }
0x7f: {  	_ =	shalt  }
0x80: {  	_ =	shalt  }
0x81: {  	_ =	shalt  }
0x82: {  	_ =	shalt  }
0x83: {  	_ =	shalt  }
0x84: {  	_ =	shalt  }
0x85: {  	_ =	shalt  }
0x86: {  	_ =	shalt  }
0x87: {  	_ =	shalt  }
.Lfunc_end0:
.L_simem_size_0:
called_computation.2_lowered:
.L_overlay_start_0:
0x88: {  	s2 =	sld [smem:$0x3FD9]  }
0x89: {  	s3 =	sld [smem:$0x3FFE];
	_ =	sdelay $0x1  }
0x8a: {  	s1 =	srdreg.scid  }
0x8b: {  	s0 =	sand.u32 $0x1, s1  }
0x8c: {  	s17 =	sshll.u32 s0, $0xA;
	s2 =	sadd.s32 s3, s2  }
0x8d: {  	s2 =	sadd.s32 s2, s17  }
0x8e: {  	[smem:$0x3FC6] =	sst s2  }
0x8f: {  	_ = 	snop  }
0x90: {  	s2 =	sld [smem:$0x3FD0];
	(tm) =	ssettm $0x1  }
0x91: {  	s18 =	sld [smem:$0x3FFB];
	_ =	sdelay $0x3  }
0x92: {  	_ =	strace s18  }
0x93: {  	s3 =	sld [smem:$0x3FFC];
	_ =	sdelay $0x3  }
0x94: {  	_ =	strace s3  }
0x95: {  	s3 =	sld [smem:$0x3FFD];
	_ =	sdelay $0x3  }
0x96: {  	_ =	strace s3  }
0x97: {  	_ =	strace $0x8FFFFFFF  }
0x98: {  	s19 =	sld [smem:$0x3FDB];
	_ =	sdelay $0x1  }
0x99: {  	s4 =	simm.s32 $_scs_section_size  }
0x9a: {  	s5 =	simm.s32 $_size__tile_overlayer_lowered;
	s6 =	simm.s32 $_tile_overlayer_lowered  }
0x9b: {  	s22 =	simm.s32 $0x1BFF;
	s21 =	sshll.u32 s6, $0x1;
	s3 =	sadd.s32 s4, s19  }
0x9c: {  	s7 =	simm.s32 $0x0;
	s20 =	sshll.u32 s5, $0x1;
	s5 =	sadd.s32 s21, s3  }
0x9d: {  	[timem:s7], [sflag:s22] =	dma.local [hbm:s5], s20  }
0x9e: {  	_ =	swait.ge [sflag:s22], s20  }
0x9f: {  	s4 =	ssub.s32 $0x0, s20;
	[sflag:s22] =	ssyncset.done $0x0  }
0xa0: {  	[sflag:s22] =	ssyncadd.s32 s4;
	_ =	sdelay $0x1  }
0xa1: {  	s23 =	simm.s32 $0x1B8B  }
0xa2: {  	_ =	swait.ge [sflag:s23], $0x1  }
0xa3: {  	[sflag:s23] =	ssyncset.done $0x0  }
0xa4: {  	s25 =	simm.s32 $0x1B8E;
	s24 =	sld [smem:$0x3FFE];
	[sflag:s23] =	ssyncadd.s32 $0xFFFFFFFF  }
0xa5: {  	s26 =	simm.s32 $execute0_lowered;
	[smem:$0x3FD2] =	sst s25  }
0xa6: {  	s5 =	sshll.u32 s26, $0x1;
	_ =	strace $0x8000004C;
	[dreg:$0x1] =	wrdreg $0xFFFFFFFF  }
0xa7: {  	s28 =	simm.s32 $_size_execute0_lowered;
	s3 =	sadd.s32 s3, s5;
	[dreg:$0x0] =	wrdreg $0x0  }
0xa8: {  	s5 =	sshll.u32 s28, $0x1;
	[dreg:$0x2] =	wrdreg s3  }
0xa9: {  	[dreg:$0x3] =	wrdreg s5  }
0xaa: {  	[dreg:$0x4] =	wrdreg $0xC0  }
0xab: {  	_ =	task [dreg:s7], $0x5FFFF  }
0xac: {  	[dreg:$0x1] =	wrdreg $0xFFFFFFFF  }
0xad: {  	[dreg:$0x0] =	wrdreg $0x60  }
0xae: {  	[dreg:$0x2] =	wrdreg s24  }
0xaf: {  	[dreg:$0x3] =	wrdreg s2  }
0xb0: {  	[dreg:$0x4] =	wrdreg $0xA2000  }
0xb1: {  	[dreg:$0x5] =	wrdreg $0x9  }
0xb2: {  	_ =	task.clear_ibuf [dreg:s7], $0x6FFFF;
	_ =	strace $0x9000004C  }
0xb3: {  	s29 =	simm.s32 $0x9;
	_ =	strace $0x8000004E  }
0xb4: {  	_ =	swait.ge [sflag:s29], $0x1  }
0xb5: {  	[sflag:s29] =	ssyncadd.s32 $0xFFFFFFFF  }
0xb6: {  	_ =	strace $0x9000004E  }
0xb7: {  	_ =	sfence  }
0xb8: {  	s30 =	sld [smem:$0x0];
	_ =	sdelay $0x2  }
0xb9: {  	s31 =	sshll.u32 s1, $0xD;
	s1 =	sshrl.u32 s1, $0x2  }
0xba: {  	s3 =	sand.u32 $0x4000, s31;
	s1 =	sadd.s32 s1, s30  }
0xbb: {  	s0 =	sor.u32 s3, s0;
	s1 =	sshll.u32 s1, $0x11  }
0xbc: {  	s0 =	sor.u32 s1, s0  }
0xbd: {  	s0 =	sadd.s32 $0x8F2B, s0  }
0xbe: {  	[sflag:s0] =	ssyncadd.remote.s32 $0x1  }
0xbf: {  	_ =	sfence.sel $0xFFFF  }
0xc0: {  	[dreg:$0x0] =	wrdreg $0xFFFFFFFF;
	(pc) =	sbr.abs _section_cstart, $3  }
0xc1: {  	[dreg:$0x1] =	wrdreg $0xFFFFFFFF  }
0xc2: {  	_ =	task.clear_ibuf [dreg:s7], $0x2FFFF;
	_ =	strace $0x9FFFFFFF  }
0xc3: {  	(tm) =	ssettm $0x7FFFFFFF  }
tec
execute0_lowered:
.L_overlay_start_1:
0x0: {  	(tag) =	ssettag $0x1  }
0x1: {  	s0 =	srdreg.scid  }
0x2: {  	s1 =	rddreg [dreg:$0x0];
	s12 =	stileid.u32  }
0x3: {  	s3 =	rddreg [dreg:$0x2];
	s4 =	simm.s32 $0x0;
	s28 =	simm.s32 $0x1  }
0x4: {  	s29 =	simm.s32 $0x7;
	s30 =	simm.s32 $0x4;
	s8 =	smul.u32 $0x14000, s12  }
0x5: {  	s31 =	simm.s32 $0x3;
	s0 =	sand.u32 $0x1, s0;
	s10 =	smul.u32 $0x50000, s12  }
0x6: {  	s6 =	sshll.u32 s12, $0x7;
	[smem:$0x7FF] =	sst s4;
	s18 =	smul.u32 $0x2850, s12  }
0x7: {  	s26 =	sshll.u32 s12, $0x6;
	s2 =	sshll.u32 s0, $0x4;
	s6 =	sand.u32 $0x380, s6  }
0x8: {  	_ =	strace $0x8000004D;
	s7 =	smul.u32 $0x140000, s0;
	s16 =	ssub.s32 $0x2, s0  }
0x9: {  	s0 =	smul.u32 $0x28500, s0;
	s2 =	sor.u32 s12, s2;
	s11 =	sshrl.u32 s16, $0x1  }
0xa: {  	s20 =	sshrl.u32 s10, $0x2;
	s5 =	sshrl.u32 s2, $0x3;
	s7 =	sadd.s32 s8, s7  }
0xb: {  	s2 =	smul.u32 $0x2850, s2;
	s17 =	ssub.s32 s16, s11;
	s15 =	sadd.s32 s20, s3  }
0xc: {  	s0 =	sadd.s32 s18, s0;
	s18 =	sor.u32 $0x1C0A, s26;
	s20 =	simm.s32 $0x2880  }
0xd: {  	s26 =	simm.s32 $0x7A00;
	s5 =	smul.u32 $0x14400, s5;
	s7 =	sshrl.u32 s7, $0x3  }
0xe: {  	s21 =	sadd.s32 $0x140, s0;
	s22 =	smax.u32 s17, $0x1;
	s23 =	sadd.s32 $0xA0, s0  }
0xf: {  	s0 =	sadd.s32 $0xF0, s0;
	s17 =	simm.s32 $0xA;
	[dreg:$0x8] =	wrdreg s22  }
0x10: {  	s2 =	sshrl.u32 s2, $0x3;
	[dreg:$0x9] =	wrdreg s0;
	s6 =	sor.u32 s6, s5  }
0x11: {  	s25 =	sshrl.u32 s23, $0x3;
	s22 =	simm.s32 $0x2A00;
	s6 =	sshrl.u32 s6, $0x3  }
0x12: {  	s5 =	sadd.s32 $0x68A00, s1;
	s9 =	sadd.s32 s6, s1;
	s6 =	sadd.s32 $0x54600, s1  }
0x13: {  	s1 =	sadd.s32 s7, s1;
	s19 =	sadd.s32 $0x5E800, s9;
	s2 =	sadd.s32 s6, s2  }
0x14: {  	s1 =	sadd.s32 $0x90A00, s1;
	s14 =	sadd.s32 s25, s6;
	[dreg:$0x4] =	wrdreg s19  }
0x15: {  	s25 =	simm.s32 $0x2980;
	[dreg:$0x5] =	wrdreg s2;
	s2 =	sadd.s32 $0xA, s2  }
0x16: {  	[dreg:$0x7] =	wrdreg s1;
	s1 =	sshrl.u32 s21, $0x3;
	s19 =	sshrl.u32 s15, $0x3  }
0x17: {  	s21 =	simm.s32 $0x50;
	[dreg:$0x6] =	wrdreg s2;
	s24 =	sadd.s32 s1, s6  }
0x18: {  	s1 =	simm.s32 $0x9;
	s2 =	simm.s32 $0x0;
	[dreg:$0xa] =	wrdreg s24  }
.LBB2_1:
0x19: {  	s0 =	rddreg [dreg:$0x4];
	s7 =	simm.s32 $0x80;
	s8 =	simm.s32 $0x400  }
0x1a: {  	[tilespmem:s4], [sflag:$0xA] =	stream.strided.gather [hbm4b:s0+s7], $0x2880, s8, s7, $0x38;
	[tilespmem:$0x1E200] =	vst v63  }
0x1b: {  	_ =	swait.ge [sflag:s17], $0x2880  }
0x1c: {  	[sflag:s17] =	ssyncset.done $0x0  }
0x1d: {  	[sflag:s17] =	ssyncadd.s32 $0xFFFFD780  }
0x1e: {  	s12 =	rddreg [dreg:$0x1]  }
0x1f: {  	[spmem:s19], [sflag:s18] =	dma.local [hbm:s12], $0x2800  }
0x20: {  	_ =	swait.ge [sflag:s17], $0x2800  }
0x21: {  	[sflag:s17] =	ssyncset.done $0x0  }
0x22: {  	[sflag:s17] =	ssyncadd.s32 $0xFFFFD800  }
0x23: {  	[bflag:$0x0] =	sbarrier.arrive $0xFFFF  }
0x24: {  	s13 =	rddreg [dreg:$0x5]  }
0x25: {  	[tilespmem:s20], [sflag:$0x7] =	stream.linear.gather [hbm4b:s13+s4], $0x50, $0x38;
	[tilespmem:$0x1E200] =	vst v63  }
0x26: {  	_ = 	snop  }
0x27: {  	[tilespmem:s22], [sflag:$0x1] =	stream.indirect.gather [hbm4b:s5+s21], $0x80, s4, s21, $0xb8;
	[tilespmem:$0x1E200] =	vst v63  }
0x28: {  	s16 =	simm.s32 $0x2900;
	p0 =	por $0x1, $0x1;
	s15 =	rddreg [dreg:$0x6]  }
0x29: {  	[tilespmem:s16], [sflag:$0x8] =	stream.linear.gather [hbm4b:s15+s4], $0x50, $0x38;
	[tilespmem:$0x1E200] =	vst v63  }
0x2a: {  	s23 =	simm.s32 $0x5200;
	s7 =	simm.s32 @!p0 $0x6  }
0x2b: {  	[tilespmem:s23], [sflag:$0x2] =	stream.indirect.gather [hbm4b:s5+s21], $0x80, s21, s21, $0xb8;
	[tilespmem:$0x1E200] =	vst v63  }
0x2c: {  	_ =	swait.ge @!p0 [sflag:s7], $0x2800  }
0x2d: {  	[sflag:s7] =	ssyncset.done @!p0 $0x0  }
0x2e: {  	[sflag:s7] =	ssyncadd.s32 @!p0 $0xFFFFD800  }
0x2f: {  	[tilespmem:s25], [sflag:$0x9] =	stream.linear.gather [hbm4b:s14+s4], $0x50, $0x38;
	[tilespmem:$0x1E200] =	vst v63  }
0x30: {  	s24 =	simm.s32 $0xA0  }
0x31: {  	[tilespmem:s26], [sflag:$0x3] =	stream.indirect.gather [hbm4b:s5+s21], $0x80, s24, s21, $0xb8;
	[tilespmem:$0x1E200] =	vst v63  }
0x32: {  	_ =	swait.ge [sflag:s28], $0x2800  }
0x33: {  	[sflag:s28] =	ssyncset.done $0x0  }
0x34: {  	[sflag:s28] =	ssyncadd.s32 $0xFFFFD800  }
0x35: {  	_ =	swait.ge [sflag:s29], $0x50  }
0x36: {  	[sflag:s29] =	ssyncset.done $0x0  }
0x37: {  	[sflag:s29] =	ssyncadd.s32 $0xFFFFFFB0  }
0x38: {  	[spmem:s3] =	stream.indirect.scatter.add.f32 [tilespmem:s22], [sflag:$0x4], $0x80, s20, s21, $0xb8;
	[tilespmem:$0x1E200] =	vst v63  }
0x39: {  	_ =	swait.ge [sflag:s30], $0x2800  }
0x3a: {  	p0 =	por $0x0, $0x0;
	[sflag:s30] =	ssyncset.done $0x0  }
0x3b: {  	s7 =	simm.s32 @p0 $0x2;
	[sflag:s30] =	ssyncadd.s32 $0xFFFFD800  }
0x3c: {  	_ =	swait.ge @p0 [sflag:s7], $0x2800  }
0x3d: {  	[sflag:s7] =	ssyncset.done @p0 $0x0  }
0x3e: {  	[sflag:s7] =	ssyncadd.s32 @p0 $0xFFFFD800;
	s7 =	simm.s32 @p0 $0x8  }
0x3f: {  	_ =	swait.ge @p0 [sflag:s7], $0x50  }
0x40: {  	s15 =	simm.s32 @p0 $0x5200;
	s16 =	simm.s32 @p0 $0x5;
	[sflag:s7] =	ssyncset.done @p0 $0x0  }
0x41: {  	s23 =	simm.s32 @p0 $0x2900;
	[sflag:s7] =	ssyncadd.s32 @p0 $0xFFFFFFB0;
	s7 =	simm.s32 @p0 $0x50  }
0x42: {  	[spmem:s3] =	stream.indirect.scatter.add.f32 @p0 [tilespmem:s15], [sflag:$0x5], $0x80, s23, s7, $0xb8;
	[tilespmem:$0x1E200] =	vst v63  }
0x43: {  	s24 =	simm.s32 @!p0 $0x2;
	s0 =	rddreg [dreg:$0x9];
	_ =	swait.ge @p0 [sflag:s16], $0x2800  }
0x44: {  	s7 =	sshrl.u32 @!p0 s0, $0x3;
	s23 =	simm.s32 @!p0 $0x2880;
	[sflag:s16] =	ssyncset.done @p0 $0x0  }
0x45: {  	s7 =	sadd.s32 @!p0 s6, s7;
	[sflag:s16] =	ssyncadd.s32 @p0 $0xFFFFD800;
	s16 =	simm.s32 @!p0 $0x0  }
0x46: {  	[tilespmem:s23], [sflag:$0x7] =	stream.linear.gather @!p0 [hbm4b:s7+s16], $0x50, $0x38;
	[tilespmem:$0x1E200] =	vst v63  }
0x47: {  	s15 =	simm.s32 @!p0 $0xF0;
	s7 =	simm.s32 @!p0 $0x50;
	s23 =	simm.s32 @!p0 $0x2A00  }
0x48: {  	[tilespmem:s23], [sflag:$0x1] =	stream.indirect.gather @!p0 [hbm4b:s5+s7], $0x80, s15, s7, $0xb8;
	[tilespmem:$0x1E200] =	vst v63  }
0x49: {  	_ =	swait.ge @!p0 [sflag:s24], $0x2800  }
0x4a: {  	[sflag:s24] =	ssyncset.done @!p0 $0x0  }
0x4b: {  	s15 =	simm.s32 @!p0 $0x8;
	[sflag:s24] =	ssyncadd.s32 @!p0 $0xFFFFD800  }
0x4c: {  	_ =	swait.ge @!p0 [sflag:s15], $0x50  }
0x4d: {  	s23 =	simm.s32 @!p0 $0x5;
	[sflag:s15] =	ssyncset.done @!p0 $0x0  }
0x4e: {  	s24 =	simm.s32 @!p0 $0x5200;
	[sflag:s15] =	ssyncadd.s32 @!p0 $0xFFFFFFB0;
	s15 =	simm.s32 @!p0 $0x2900  }
0x4f: {  	[spmem:s3] =	stream.indirect.scatter.add.f32 @!p0 [tilespmem:s24], [sflag:$0x5], $0x80, s15, s7, $0xb8;
	[tilespmem:$0x1E200] =	vst v63  }
0x50: {  	_ =	swait.ge @!p0 [sflag:s23], $0x2800  }
0x51: {  	[sflag:s23] =	ssyncset.done @!p0 $0x0  }
0x52: {  	s8 =	rddreg [dreg:$0xa];
	[sflag:s23] =	ssyncadd.s32 @!p0 $0xFFFFD800  }
0x53: {  	[tilespmem:s15], [sflag:$0x8] =	stream.linear.gather @!p0 [hbm4b:s8+s16], $0x50, $0x38;
	[tilespmem:$0x1E200] =	vst v63  }
0x54: {  	s15 =	simm.s32 @!p0 $0x140  }
0x55: {  	[tilespmem:s24], [sflag:$0x2] =	stream.indirect.gather @!p0 [hbm4b:s5+s7], $0x80, s15, s7, $0xb8;
	[tilespmem:$0x1E200] =	vst v63  }
0x56: {  	_ =	swait.ge [sflag:s31], $0x2800  }
0x57: {  	[sflag:s31] =	ssyncset.done $0x0  }
0x58: {  	p1 =	por $0x0, $0x0;
	s23 =	sadd.s32 $0xF0, s0;
	[sflag:s31] =	ssyncadd.s32 $0xFFFFD800  }
0x59: {  	s16 =	simm.s32 $0x3C0;
	s7 =	simm.s32 $0x780;
	_ =	swait.ge [sflag:s1], $0x50  }
0x5a: {  	s15 =	sadd.s32 $0x1E, s8;
	s24 =	sadd.s32 $0x1E, s14;
	[sflag:s1] =	ssyncset.done $0x0  }
.LBB2_2:
0x5b: {  	s9 =	simm.s32 @!p1 $0x6  }
0x5c: {  	[sflag:s1] =	ssyncadd.s32 $0xFFFFFFB0;
	s10 =	smov.u32 s7;
	s7 =	sadd.s32 $0x3C0, s7  }
0x5d: {  	[spmem:s3] =	stream.indirect.scatter.add.f32 [tilespmem:s26], [sflag:$0x6], $0x80, s25, s21, $0xb8;
	[tilespmem:$0x1E200] =	vst v63  }
0x5e: {  	p0 =	sne.s32 s7, $0xA140;
	_ =	swait.ge @!p1 [sflag:s9], $0x2800  }
0x5f: {  	[sflag:s9] =	ssyncset.done @!p1 $0x0  }
0x60: {  	[sflag:s9] =	ssyncadd.s32 @!p1 $0xFFFFD800;
	s9 =	sshra.s32 s16, $0x2  }
0x61: {  	[tilespmem:s25], [sflag:$0x9] =	stream.linear.gather [hbm4b:s24+s4], $0x50, $0x38;
	[tilespmem:$0x1E200] =	vst v63  }
0x62: {  	s9 =	sadd.s32 $0xA0, s9  }
0x63: {  	[tilespmem:s26], [sflag:$0x3] =	stream.indirect.gather [hbm4b:s5+s21], $0x80, s9, s21, $0xb8;
	[tilespmem:$0x1E200] =	vst v63  }
0x64: {  	_ =	swait.ge [sflag:s28], $0x2800  }
0x65: {  	[sflag:s28] =	ssyncset.done $0x0  }
0x66: {  	[sflag:s28] =	ssyncadd.s32 $0xFFFFD800  }
0x67: {  	_ =	swait.ge [sflag:s29], $0x50  }
0x68: {  	[sflag:s29] =	ssyncset.done $0x0  }
0x69: {  	[sflag:s29] =	ssyncadd.s32 $0xFFFFFFB0  }
0x6a: {  	[spmem:s3] =	stream.indirect.scatter.add.f32 [tilespmem:s22], [sflag:$0x4], $0x80, s20, s21, $0xb8;
	[tilespmem:$0x1E200] =	vst v63  }
0x6b: {  	_ =	swait.ge [sflag:s30], $0x2800  }
0x6c: {  	p1 =	seq.s32 s16, $0x9D80;
	[sflag:s30] =	ssyncset.done $0x0  }
0x6d: {  	s11 =	sshrl.u32 @!p1 s23, $0x3;
	s9 =	simm.s32 @p1 $0x2;
	[sflag:s30] =	ssyncadd.s32 $0xFFFFD800  }
0x6e: {  	s16 =	sshra.s32 @!p1 s16, $0x2;
	s11 =	sadd.s32 @!p1 s6, s11;
	_ =	swait.ge @p1 [sflag:s9], $0x2800  }
0x6f: {  	s8 =	sadd.s32 @!p1 $0xF0, s16;
	s0 =	sadd.s32 @!p1 $0x140, s16;
	[sflag:s9] =	ssyncset.done @p1 $0x0  }
0x70: {  	s16 =	smov.u32 s10;
	[sflag:s9] =	ssyncadd.s32 @p1 $0xFFFFD800;
	s9 =	simm.s32 @p1 $0x8  }
0x71: {  	_ =	swait.ge @p1 [sflag:s9], $0x50  }
0x72: {  	s12 =	simm.s32 @p1 $0x5;
	s10 =	simm.s32 @p1 $0x5200;
	[sflag:s9] =	ssyncset.done @p1 $0x0  }
0x73: {  	s13 =	simm.s32 @p1 $0x2900;
	[sflag:s9] =	ssyncadd.s32 @p1 $0xFFFFFFB0;
	s9 =	simm.s32 @p1 $0x50  }
0x74: {  	[spmem:s3] =	stream.indirect.scatter.add.f32 @p1 [tilespmem:s10], [sflag:$0x5], $0x80, s13, s9, $0xb8;
	[tilespmem:$0x1E200] =	vst v63  }
0x75: {  	_ =	swait.ge @p1 [sflag:s12], $0x2800  }
0x76: {  	[sflag:s12] =	ssyncset.done @p1 $0x0  }
0x77: {  	s9 =	simm.s32 @!p1 $0x0;
	s10 =	simm.s32 @!p1 $0x2880;
	[sflag:s12] =	ssyncadd.s32 @p1 $0xFFFFD800  }
0x78: {  	[tilespmem:s10], [sflag:$0x7] =	stream.linear.gather @!p1 [hbm4b:s11+s9], $0x50, $0x38;
	[tilespmem:$0x1E200] =	vst v63  }
0x79: {  	s12 =	simm.s32 @!p1 $0x2;
	s10 =	simm.s32 @!p1 $0x50;
	s11 =	simm.s32 @!p1 $0x2A00  }
0x7a: {  	[tilespmem:s11], [sflag:$0x1] =	stream.indirect.gather @!p1 [hbm4b:s5+s10], $0x80, s8, s10, $0xb8;
	[tilespmem:$0x1E200] =	vst v63  }
0x7b: {  	_ =	swait.ge @!p1 [sflag:s12], $0x2800  }
0x7c: {  	[sflag:s12] =	ssyncset.done @!p1 $0x0  }
0x7d: {  	s8 =	simm.s32 @!p1 $0x8;
	[sflag:s12] =	ssyncadd.s32 @!p1 $0xFFFFD800  }
0x7e: {  	_ =	swait.ge @!p1 [sflag:s8], $0x50  }
0x7f: {  	s11 =	simm.s32 @!p1 $0x5;
	[sflag:s8] =	ssyncset.done @!p1 $0x0  }
0x80: {  	s12 =	simm.s32 @!p1 $0x5200;
	[sflag:s8] =	ssyncadd.s32 @!p1 $0xFFFFFFB0;
	s8 =	simm.s32 @!p1 $0x2900  }
0x81: {  	[spmem:s3] =	stream.indirect.scatter.add.f32 @!p1 [tilespmem:s12], [sflag:$0x5], $0x80, s8, s10, $0xb8;
	[tilespmem:$0x1E200] =	vst v63  }
0x82: {  	_ =	swait.ge @!p1 [sflag:s11], $0x2800  }
0x83: {  	[sflag:s11] =	ssyncset.done @!p1 $0x0  }
0x84: {  	[sflag:s11] =	ssyncadd.s32 @!p1 $0xFFFFD800  }
0x85: {  	[tilespmem:s8], [sflag:$0x8] =	stream.linear.gather @!p1 [hbm4b:s15+s9], $0x50, $0x38;
	[tilespmem:$0x1E200] =	vst v63  }
0x86: {  	_ = 	snop  }
0x87: {  	[tilespmem:s12], [sflag:$0x2] =	stream.indirect.gather @!p1 [hbm4b:s5+s10], $0x80, s0, s10, $0xb8;
	[tilespmem:$0x1E200] =	vst v63  }
.Ltmp0:
0x88: {  	_ =	swait.ge [sflag:s31], $0x2800;
	(pc) =	sbr.rel @p0 .LBB2_2-.Ltmp0, $4  }
0x89: {  	[sflag:s31] =	ssyncset.done $0x0  }
0x8a: {  	[sflag:s31] =	ssyncadd.s32 $0xFFFFD800  }
0x8b: {  	s24 =	sadd.s32 $0x1E, s24;
	s15 =	sadd.s32 $0x1E, s15;
	_ =	swait.ge [sflag:s1], $0x50  }
0x8c: {  	s23 =	sadd.s32 $0xF0, s23;
	p1 =	seq.s32 s16, $0x0;
	[sflag:s1] =	ssyncset.done $0x0  }
0x8d: {  	s0 =	simm.s32 @!p1 $0x6;
	[sflag:s1] =	ssyncadd.s32 $0xFFFFFFB0  }
0x8e: {  	[spmem:s3] =	stream.indirect.scatter.add.f32 [tilespmem:s26], [sflag:$0x6], $0x80, s25, s21, $0xb8;
	[tilespmem:$0x1E200] =	vst v63  }
0x8f: {  	_ =	swait.ge @!p1 [sflag:s0], $0x2800  }
0x90: {  	[sflag:s0] =	ssyncset.done @!p1 $0x0  }
0x91: {  	s13 =	sshra.s32 s16, $0x2;
	[sflag:s0] =	ssyncadd.s32 @!p1 $0xFFFFD800  }
0x92: {  	[tilespmem:s25], [sflag:$0x9] =	stream.linear.gather [hbm4b:s24+s4], $0x50, $0x38;
	[tilespmem:$0x1E200] =	vst v63  }
0x93: {  	s0 =	sadd.s32 $0xA0, s13  }
0x94: {  	[tilespmem:s26], [sflag:$0x3] =	stream.indirect.gather [hbm4b:s5+s21], $0x80, s0, s21, $0xb8;
	[tilespmem:$0x1E200] =	vst v63  }
0x95: {  	_ =	swait.ge [sflag:s28], $0x2800  }
0x96: {  	[sflag:s28] =	ssyncset.done $0x0  }
0x97: {  	[sflag:s28] =	ssyncadd.s32 $0xFFFFD800  }
0x98: {  	_ =	swait.ge [sflag:s29], $0x50  }
0x99: {  	[sflag:s29] =	ssyncset.done $0x0  }
0x9a: {  	[sflag:s29] =	ssyncadd.s32 $0xFFFFFFB0  }
0x9b: {  	[spmem:s3] =	stream.indirect.scatter.add.f32 [tilespmem:s22], [sflag:$0x4], $0x80, s20, s21, $0xb8;
	[tilespmem:$0x1E200] =	vst v63  }
0x9c: {  	_ =	swait.ge [sflag:s30], $0x2800  }
0x9d: {  	p0 =	seq.s32 s16, $0x9D80;
	[sflag:s30] =	ssyncset.done $0x0  }
0x9e: {  	s0 =	simm.s32 @p0 $0x2;
	[sflag:s30] =	ssyncadd.s32 $0xFFFFD800  }
0x9f: {  	_ =	swait.ge @p0 [sflag:s0], $0x2800  }
0xa0: {  	[sflag:s0] =	ssyncset.done @p0 $0x0  }
0xa1: {  	[sflag:s0] =	ssyncadd.s32 @p0 $0xFFFFD800;
	s0 =	simm.s32 @p0 $0x8  }
0xa2: {  	_ =	swait.ge @p0 [sflag:s0], $0x50  }
0xa3: {  	s7 =	simm.s32 @p0 $0x5200;
	s8 =	simm.s32 @p0 $0x5;
	[sflag:s0] =	ssyncset.done @p0 $0x0  }
0xa4: {  	s9 =	simm.s32 @p0 $0x2900;
	[sflag:s0] =	ssyncadd.s32 @p0 $0xFFFFFFB0;
	s0 =	simm.s32 @p0 $0x50  }
0xa5: {  	[spmem:s3] =	stream.indirect.scatter.add.f32 @p0 [tilespmem:s7], [sflag:$0x5], $0x80, s9, s0, $0xb8;
	[tilespmem:$0x1E200] =	vst v63  }
0xa6: {  	s10 =	simm.s32 @!p0 $0x2880;
	s11 =	simm.s32 @!p0 $0x2;
	_ =	swait.ge @p0 [sflag:s8], $0x2800  }
0xa7: {  	s0 =	sshrl.u32 @!p0 s23, $0x3;
	s7 =	sshra.s32 @!p0 s16, $0x2;
	[sflag:s8] =	ssyncset.done @p0 $0x0  }
0xa8: {  	s0 =	sadd.s32 @!p0 s6, s0;
	[sflag:s8] =	ssyncadd.s32 @p0 $0xFFFFD800;
	s8 =	simm.s32 @!p0 $0x0  }
0xa9: {  	[tilespmem:s10], [sflag:$0x7] =	stream.linear.gather @!p0 [hbm4b:s0+s8], $0x50, $0x38;
	[tilespmem:$0x1E200] =	vst v63  }
0xaa: {  	s9 =	sadd.s32 @!p0 $0xF0, s7;
	s0 =	simm.s32 @!p0 $0x50;
	s10 =	simm.s32 @!p0 $0x2A00  }
0xab: {  	[tilespmem:s10], [sflag:$0x1] =	stream.indirect.gather @!p0 [hbm4b:s5+s0], $0x80, s9, s0, $0xb8;
	[tilespmem:$0x1E200] =	vst v63  }
0xac: {  	_ =	swait.ge @!p0 [sflag:s11], $0x2800  }
0xad: {  	[sflag:s11] =	ssyncset.done @!p0 $0x0  }
0xae: {  	s9 =	simm.s32 @!p0 $0x8;
	[sflag:s11] =	ssyncadd.s32 @!p0 $0xFFFFD800  }
0xaf: {  	_ =	swait.ge @!p0 [sflag:s9], $0x50  }
0xb0: {  	s10 =	simm.s32 @!p0 $0x5;
	[sflag:s9] =	ssyncset.done @!p0 $0x0  }
0xb1: {  	s11 =	simm.s32 @!p0 $0x5200;
	[sflag:s9] =	ssyncadd.s32 @!p0 $0xFFFFFFB0;
	s9 =	simm.s32 @!p0 $0x2900  }
0xb2: {  	[spmem:s3] =	stream.indirect.scatter.add.f32 @!p0 [tilespmem:s11], [sflag:$0x5], $0x80, s9, s0, $0xb8;
	[tilespmem:$0x1E200] =	vst v63  }
0xb3: {  	_ =	swait.ge @!p0 [sflag:s10], $0x2800  }
0xb4: {  	[sflag:s10] =	ssyncset.done @!p0 $0x0  }
0xb5: {  	[sflag:s10] =	ssyncadd.s32 @!p0 $0xFFFFD800  }
0xb6: {  	[tilespmem:s9], [sflag:$0x8] =	stream.linear.gather @!p0 [hbm4b:s15+s8], $0x50, $0x38;
	[tilespmem:$0x1E200] =	vst v63  }
0xb7: {  	s7 =	sadd.s32 @!p0 $0x140, s7  }
0xb8: {  	[tilespmem:s11], [sflag:$0x2] =	stream.indirect.gather @!p0 [hbm4b:s5+s0], $0x80, s7, s0, $0xb8;
	[tilespmem:$0x1E200] =	vst v63  }
0xb9: {  	_ =	swait.ge [sflag:s31], $0x2800  }
0xba: {  	[sflag:s31] =	ssyncset.done $0x0  }
0xbb: {  	[sflag:s31] =	ssyncadd.s32 $0xFFFFD800  }
0xbc: {  	_ =	swait.ge [sflag:s1], $0x50  }
0xbd: {  	[sflag:s1] =	ssyncset.done $0x0  }
0xbe: {  	s16 =	simm.s32 $0x6;
	[sflag:s1] =	ssyncadd.s32 $0xFFFFFFB0  }
0xbf: {  	[spmem:s3] =	stream.indirect.scatter.add.f32 [tilespmem:s26], [sflag:$0x6], $0x80, s25, s21, $0xb8;
	[tilespmem:$0x1E200] =	vst v63  }
0xc0: {  	_ =	swait.ge [sflag:s16], $0x2800  }
0xc1: {  	[sflag:s16] =	ssyncset.done $0x0  }
0xc2: {  	[sflag:s16] =	ssyncadd.s32 $0xFFFFD800  }
0xc3: {  	[bflag:$0x0] =	sbarrier.arrive $0xFFFF  }
0xc4: {  	s23 =	rddreg [dreg:$0x7]  }
0xc5: {  	[hbm:s23], [sflag:s18] =	dma.local [spmem:s19], $0x2800  }
0xc6: {  	_ =	swait.ge [sflag:s17], $0x2800  }
0xc7: {  	s2 =	sadd.s32 $0x1, s2;
	s24 =	rddreg [dreg:$0x8]  }
0xc8: {  	p0 =	sne.s32 s2, s24  }
.Ltmp1:
0xc9: {  	_ = 	snop;
	(pc) =	sbr.rel @p0 .LBB2_1-.Ltmp1, $3  }
0xca: {  	_ =	sdelay $0x1  }
0xcb: {  	[sflag:s17] =	ssyncset.done $0x0  }
0xcc: {  	[sflag:s17] =	ssyncadd.s32 $0xFFFFD800  }
0xcd: {  	_ =	sfence.sel $0x180000  }
0xce: {  	[bflag:$0x0] =	sbarrier.arrive $0xFFFF  }
0xcf: {  	_ =	strace $0x9000004D  }
0xd0: {  	s0 =	stileid.u32;
	[bflag:$0x2] =	sbarrier.arrive $0xFFFF  }
0xd1: {  	p0 =	sne.s32 s0, $0x0;
	s0 =	rddreg [dreg:$0x3]  }
0xd2: {  	s0 =	sadd.s32 @!p0 $0x100000, s0  }
0xd3: {  	[sflag:s0] =	ssyncadd.tile.s32 @!p0 $0x1;
	_ =	shalt  }
.Lfunc_end2:
_tile_overlayer_lowered:
.L_overlay_start_2:
0xd4: {  	(tag) =	ssettag $0x2  }
0xd5: {  	s0 =	rddreg [dreg:$0x0];
	s2 =	stileid.u32  }
0xd6: {  	s1 =	rddreg [dreg:$0x1];
	p0 =	sne.s32 s2, $0x0  }
0xd7: {  	s3 =	rddreg [dreg:$0x2];
	[bflag:$0x3] =	sbarrier.arrive $0xFFFF;
	s2 =	simm.s32 @!p0 $0x1C0A  }
0xd8: {  	[timem:s3], [sflag:s2] =	dma.local @!p0 [hbm:s0], s1  }
0xd9: {  	s0 =	simm.s32 @!p0 $0xA  }
0xda: {  	_ =	swait.ge @!p0 [sflag:s0], s1  }
0xdb: {  	s1 =	ssub.s32 @!p0 $0x0, s1;
	[sflag:s0] =	ssyncset.done @!p0 $0x0  }
0xdc: {  	[sflag:s0] =	ssyncadd.s32 @!p0 s1  }
0xdd: {  	[bflag:$0x3] =	sbarrier.arrive $0xFFFF  }
0xde: {  	_ =	shalt  }

// kernel: kernel.8.cloned.1.call-start
scs
__scs_entry_jumppad:
0x0: {  	(pc) =	sbr.rel $0x88, $3  }
0x1: {  	(tag) =	ssettag $0x0;
	lr =	simm.s32 $0x1  }
0x2: {  	[smem:$0x3F9F] =	sst lr;
	_ =	strace $0xD0000000  }
0x3: {  	_ = 	snop  }
0x4: {  	_ = 	snop  }
0x5: {  	_ = 	snop  }
0x6: {  	_ = 	snop  }
0x7: {  	_ = 	snop  }
__scs_overlays_trampoline_lowered:
0x8: {  	[smem:$0x3FAE] =	sst s0  }
0x9: {  	[smem:$0x3FAF] =	sst s1  }
0xa: {  	[smem:$0x3FB0] =	sst s2  }
0xb: {  	[smem:$0x3FB1] =	sst s3  }
0xc: {  	[smem:$0x3FB2] =	sst s4  }
0xd: {  	[smem:$0x3FB3] =	sst s5  }
0xe: {  	[smem:$0x3FB4] =	sst s6  }
0xf: {  	[smem:$0x3FB5] =	sst s7  }
0x10: {  	[smem:$0x3FB6] =	sst s8  }
0x11: {  	[smem:$0x3FB7] =	sst s9;
	s0 =	simm.s32 @!p0 $0x0  }
0x12: {  	s1 =	sld [smem:$0x3F9D];
	s0 =	simm.s32 @p0 $0x1  }
0x13: {  	[smem:$0x3FB8] =	sst s0;
	s0 =	simm.s32 @!p1 $0x0  }
0x14: {  	s2 =	sld [smem:$0x3F9C];
	s0 =	simm.s32 @p1 $0x1  }
0x15: {  	[smem:$0x3FB9] =	sst s0;
	s0 =	simm.s32 @!p2 $0x0  }
0x16: {  	s3 =	sld [smem:$0x3FDB];
	s0 =	simm.s32 @p2 $0x1  }
0x17: {  	s4 =	simm.s32 $0x1BF5;
	[smem:$0x3FBB] =	sst s0  }
0x18: {  	s0 =	sld [smem:$0x3F9E];
	_ =	swait.ge [sflag:s4], $0x0  }
0x19: {  	s7 =	sld [smem:$0x3F9F]  }
0x1a: {  	s8 =	sadd.s32 $0xFFFFE003, lr  }
0x1b: {  	s9 =	sadd.s32 $0xFFFFFEF7, lr;
	s5 =	simm.s32 $0xFFFFFFFF;
	p2 =	slt.u32 s8, $0xFFFFF086  }
0x1c: {  	p1 =	slt.u32 s9, $0xF7A;
	s5 =	simm.s32 @!p2 $0x0  }
0x1d: {  	s5 =	simm.s32 @p1 $0x1;
	p0 =	seq.s32 s7, s2  }
0x1e: {  	s7 =	smul.u32 @!p0 $0xF7A, s2;
	p2 =	seq.s32 @!p0 s5, $0x0  }
0x1f: {  	s9 =	smul.u32 $0xF7A, s1;
	s8 =	simm.s32 @!p0 $0x1BF5;
	p2 =	por !p2, p0  }
0x20: {  	[sflag:s8] =	ssyncset.s32 @!p0 $0xFFFFF086;
	s6 =	sadd.s32 @!p0 s3, s7;
	s7 =	simm.s32 @!p0 $0x108  }
0x21: {  	s3 =	sadd.s32 s3, s9;
	s6 =	sadd.s32 @!p0 $0x88, s6;
	s7 =	simm.s32 @p2 $0x1082  }
0x22: {  	[simem:s7], [sflag:s8] =	dma.local @!p0 [hbm:s6], $0xF7A  }
0x23: {  	s9 =	sor.u32 $0xD0000000, s2;
	s6 =	simm.s32 $0x108;
	_ =	swait.ge @!p0 [sflag:s8], $0x0  }
0x24: {  	s3 =	sadd.s32 $0x88, s3;
	s6 =	simm.s32 @!p1 $0x1082;
	[sflag:s4] =	ssyncset.s32 $0xFFFFF086  }
0x25: {  	[simem:s6], [sflag:s4] =	dma.local [hbm:s3], $0xF7A  }
0x26: {  	[smem:$0x3F9F] =	sst s1;
	(tag) =	ssettag s2;
	_ =	strace s9  }
0x27: {  	s1 =	sld [smem:$0x3FAF]  }
0x28: {  	s2 =	sld [smem:$0x3FB0]  }
0x29: {  	s4 =	sld [smem:$0x3FB2]  }
0x2a: {  	p0 =	seq.s32 s5, $0x0;
	s5 =	sld [smem:$0x3FB3]  }
0x2b: {  	s6 =	sld [smem:$0x3FB4]  }
0x2c: {  	s7 =	sld [smem:$0x3FB5]  }
0x2d: {  	s3 =	simm.s32 $0x108;
	s8 =	sld [smem:$0x3FB6]  }
0x2e: {  	s3 =	simm.s32 @!p0 $0x1082;
	s9 =	sld [smem:$0x3FB7]  }
0x2f: {  	lr =	sadd.s32 s0, s3;
	s0 =	sld [smem:$0x3FAE]  }
0x30: {  	s3 =	sld [smem:$0x3FB1]  }
0x31: {  	[smem:$0x3FBA] =	sst s10  }
0x32: {  	s10 =	sld [smem:$0x3FB8];
	_ =	sdelay $0x3  }
0x33: {  	p0 =	seq.s32 s10, $0x1;
	s10 =	sld [smem:$0x3FBA];
	_ =	sdelay $0x3  }
0x34: {  	[smem:$0x3FBA] =	sst s10  }
0x35: {  	s10 =	sld [smem:$0x3FB9];
	_ =	sdelay $0x3  }
0x36: {  	p1 =	seq.s32 s10, $0x1;
	s10 =	sld [smem:$0x3FBA];
	_ =	sdelay $0x3  }
0x37: {  	[smem:$0x3FBA] =	sst s10  }
0x38: {  	s10 =	sld [smem:$0x3FBB]  }
0x39: {  	_ = 	snop;
	(pc) =	sbr.ind lr, $3  }
0x3a: {  	_ = 	snop  }
0x3b: {  	_ = 	snop  }
0x3c: {  	p2 =	seq.s32 s10, $0x1;
	s10 =	sld [smem:$0x3FBA]  }
0x3d: {  	_ =	shalt  }
0x3e: {  	_ =	shalt  }
0x3f: {  	_ =	shalt  }
0x40: {  	_ =	shalt  }
0x41: {  	_ =	shalt  }
0x42: {  	_ =	shalt  }
0x43: {  	_ =	shalt  }
0x44: {  	_ =	shalt  }
0x45: {  	_ =	shalt  }
0x46: {  	_ =	shalt  }
0x47: {  	_ =	shalt  }
0x48: {  	_ =	shalt  }
0x49: {  	_ =	shalt  }
0x4a: {  	_ =	shalt  }
0x4b: {  	_ =	shalt  }
0x4c: {  	_ =	shalt  }
0x4d: {  	_ =	shalt  }
0x4e: {  	_ =	shalt  }
0x4f: {  	_ =	shalt  }
0x50: {  	_ =	shalt  }
0x51: {  	_ =	shalt  }
0x52: {  	_ =	shalt  }
0x53: {  	_ =	shalt  }
0x54: {  	_ =	shalt  }
0x55: {  	_ =	shalt  }
0x56: {  	_ =	shalt  }
0x57: {  	_ =	shalt  }
0x58: {  	_ =	shalt  }
0x59: {  	_ =	shalt  }
0x5a: {  	_ =	shalt  }
0x5b: {  	_ =	shalt  }
0x5c: {  	_ =	shalt  }
0x5d: {  	_ =	shalt  }
0x5e: {  	_ =	shalt  }
0x5f: {  	_ =	shalt  }
0x60: {  	_ =	shalt  }
0x61: {  	_ =	shalt  }
0x62: {  	_ =	shalt  }
0x63: {  	_ =	shalt  }
0x64: {  	_ =	shalt  }
0x65: {  	_ =	shalt  }
0x66: {  	_ =	shalt  }
0x67: {  	_ =	shalt  }
0x68: {  	_ =	shalt  }
0x69: {  	_ =	shalt  }
0x6a: {  	_ =	shalt  }
0x6b: {  	_ =	shalt  }
0x6c: {  	_ =	shalt  }
0x6d: {  	_ =	shalt  }
0x6e: {  	_ =	shalt  }
0x6f: {  	_ =	shalt  }
0x70: {  	_ =	shalt  }
0x71: {  	_ =	shalt  }
0x72: {  	_ =	shalt  }
0x73: {  	_ =	shalt  }
0x74: {  	_ =	shalt  }
0x75: {  	_ =	shalt  }
0x76: {  	_ =	shalt  }
0x77: {  	_ =	shalt  }
0x78: {  	_ =	shalt  }
0x79: {  	_ =	shalt  }
0x7a: {  	_ =	shalt  }
0x7b: {  	_ =	shalt  }
0x7c: {  	_ =	shalt  }
0x7d: {  	_ =	shalt  }
0x7e: {  	_ =	shalt  }
0x7f: {  	_ =	shalt  }
0x80: {  	_ =	shalt  }
0x81: {  	_ =	shalt  }
0x82: {  	_ =	shalt  }
0x83: {  	_ =	shalt  }
0x84: {  	_ =	shalt  }
0x85: {  	_ =	shalt  }
0x86: {  	_ =	shalt  }
0x87: {  	_ =	shalt  }
.Lfunc_end0:
.L_simem_size_0:
called_computation_lowered:
.L_overlay_start_0:
0x88: {  	s2 =	sld [smem:$0x3FD9]  }
0x89: {  	s3 =	sld [smem:$0x3FFE];
	_ =	sdelay $0x1  }
0x8a: {  	s1 =	srdreg.scid  }
0x8b: {  	s0 =	sand.u32 $0x1, s1  }
0x8c: {  	s17 =	sshll.u32 s0, $0xA;
	s2 =	sadd.s32 s3, s2  }
0x8d: {  	s2 =	sadd.s32 s2, s17  }
0x8e: {  	[smem:$0x3FC6] =	sst s2  }
0x8f: {  	_ = 	snop  }
0x90: {  	s2 =	sld [smem:$0x3FD0];
	(tm) =	ssettm $0x1  }
0x91: {  	s18 =	sld [smem:$0x3FFB];
	_ =	sdelay $0x3  }
0x92: {  	_ =	strace s18  }
0x93: {  	s3 =	sld [smem:$0x3FFC];
	_ =	sdelay $0x3  }
0x94: {  	_ =	strace s3  }
0x95: {  	s3 =	sld [smem:$0x3FFD];
	_ =	sdelay $0x3  }
0x96: {  	_ =	strace s3  }
0x97: {  	_ =	strace $0x8FFFFFFF  }
0x98: {  	s19 =	sld [smem:$0x3FDB];
	_ =	sdelay $0x1  }
0x99: {  	s4 =	simm.s32 $_scs_section_size  }
0x9a: {  	s5 =	simm.s32 $_size__tile_overlayer_lowered;
	s6 =	simm.s32 $_tile_overlayer_lowered  }
0x9b: {  	s22 =	simm.s32 $0x1BFF;
	s21 =	sshll.u32 s6, $0x1;
	s3 =	sadd.s32 s4, s19  }
0x9c: {  	s7 =	simm.s32 $0x0;
	s20 =	sshll.u32 s5, $0x1;
	s5 =	sadd.s32 s21, s3  }
0x9d: {  	[timem:s7], [sflag:s22] =	dma.local [hbm:s5], s20  }
0x9e: {  	_ =	swait.ge [sflag:s22], s20  }
0x9f: {  	s4 =	ssub.s32 $0x0, s20;
	[sflag:s22] =	ssyncset.done $0x0  }
0xa0: {  	[sflag:s22] =	ssyncadd.s32 s4;
	_ =	sdelay $0x1  }
0xa1: {  	s23 =	simm.s32 $0x1B8B  }
0xa2: {  	_ =	swait.ge [sflag:s23], $0x1  }
0xa3: {  	[sflag:s23] =	ssyncset.done $0x0  }
0xa4: {  	s25 =	simm.s32 $0x1B8E;
	s24 =	sld [smem:$0x3FFE];
	[sflag:s23] =	ssyncadd.s32 $0xFFFFFFFF  }
0xa5: {  	s26 =	simm.s32 $execute0_lowered;
	[smem:$0x3FD2] =	sst s25  }
0xa6: {  	s5 =	sshll.u32 s26, $0x1;
	_ =	strace $0x80000046;
	[dreg:$0x1] =	wrdreg $0xFFFFFFFF  }
0xa7: {  	s28 =	simm.s32 $_size_execute0_lowered;
	s3 =	sadd.s32 s3, s5;
	[dreg:$0x0] =	wrdreg $0x0  }
0xa8: {  	s5 =	sshll.u32 s28, $0x1;
	[dreg:$0x2] =	wrdreg s3  }
0xa9: {  	[dreg:$0x3] =	wrdreg s5  }
0xaa: {  	[dreg:$0x4] =	wrdreg $0xC0  }
0xab: {  	_ =	task [dreg:s7], $0x5FFFF  }
0xac: {  	[dreg:$0x1] =	wrdreg $0xFFFFFFFF  }
0xad: {  	[dreg:$0x0] =	wrdreg $0x60  }
0xae: {  	[dreg:$0x2] =	wrdreg s2  }
0xaf: {  	[dreg:$0x3] =	wrdreg s24  }
0xb0: {  	[dreg:$0x4] =	wrdreg $0x68000  }
0xb1: {  	[dreg:$0x5] =	wrdreg $0x9  }
0xb2: {  	_ =	task.clear_ibuf [dreg:s7], $0x6FFFF;
	_ =	strace $0x90000046  }
0xb3: {  	s29 =	simm.s32 $0x9;
	_ =	strace $0x80000048  }
0xb4: {  	_ =	swait.ge [sflag:s29], $0x1  }
0xb5: {  	[sflag:s29] =	ssyncadd.s32 $0xFFFFFFFF  }
0xb6: {  	_ =	strace $0x90000048  }
0xb7: {  	_ =	sfence  }
0xb8: {  	s30 =	sld [smem:$0x0];
	_ =	sdelay $0x2  }
0xb9: {  	s31 =	sshll.u32 s1, $0xD;
	s1 =	sshrl.u32 s1, $0x2  }
0xba: {  	s3 =	sand.u32 $0x4000, s31;
	s1 =	sadd.s32 s1, s30  }
0xbb: {  	s0 =	sor.u32 s3, s0;
	s1 =	sshll.u32 s1, $0x11  }
0xbc: {  	s0 =	sor.u32 s1, s0  }
0xbd: {  	s0 =	sadd.s32 $0x8F2B, s0  }
0xbe: {  	[sflag:s0] =	ssyncadd.remote.s32 $0x1  }
0xbf: {  	_ =	sfence.sel $0xFFFF  }
0xc0: {  	[dreg:$0x0] =	wrdreg $0xFFFFFFFF;
	(pc) =	sbr.abs _section_cstart, $3  }
0xc1: {  	[dreg:$0x1] =	wrdreg $0xFFFFFFFF  }
0xc2: {  	_ =	task.clear_ibuf [dreg:s7], $0x2FFFF;
	_ =	strace $0x9FFFFFFF  }
0xc3: {  	(tm) =	ssettm $0x7FFFFFFF  }
tec
execute0_lowered:
.L_overlay_start_1:
0x0: {  	(tag) =	ssettag $0x1  }
0x1: {  	s6 =	rddreg [dreg:$0x0]  }
0x2: {  	s7 =	rddreg [dreg:$0x1]  }
0x3: {  	s1 =	rddreg [dreg:$0x2]  }
0x4: {  	s0 =	rddreg [dreg:$0x3];
	s3 =	simm.s32 $0x0;
	s2 =	srdreg.scid  }
0x5: {  	s13 =	simm.s32 $0x60;
	[smem:$0x7FF] =	sst s3;
	s8 =	sand.u32 $0x1, s2  }
0x6: {  	s14 =	simm.s32 $0x0;
	s2 =	stileid.u32;
	s9 =	smul.u32 $0x140000, s8  }
0x7: {  	s4 =	sadd.s32 $0x1800, s7;
	s5 =	sadd.s32 $0x1E00, s7;
	s10 =	smul.u32 $0x14000, s2  }
0x8: {  	_ =	strace $0x80000047;
	s11 =	sshll.u32 s8, $0x4;
	s29 =	smul.u32 $0x50000, s2  }
0x9: {  	s8 =	ssub.s32 $0x2, s8;
	s31 =	sshll.u32 s2, $0x6;
	s28 =	sor.u32 s2, s11  }
0xa: {  	s30 =	sshrl.u32 s8, $0x1;
	s9 =	sadd.s32 s10, s9;
	s10 =	smul.u32 $0x700, s28  }
0xb: {  	s11 =	sshrl.u32 s29, $0x2;
	s8 =	ssub.s32 s8, s30;
	s9 =	sshrl.u32 s9, $0x3  }
0xc: {  	s12 =	sadd.s32 s11, s1;
	s8 =	smax.u32 s8, $0x1;
	s11 =	sor.u32 $0x1C01, s31  }
0xd: {  	s7 =	sadd.s32 s9, s7;
	s6 =	sadd.s32 s6, s10;
	s9 =	simm.s32 $0x3800  }
0xe: {  	s10 =	simm.s32 $0x1;
	s12 =	sshrl.u32 s12, $0x3;
	s7 =	sadd.s32 $0x4600, s7  }
.LBB2_1:
0xf: {  	[tilespmem:s9], [sflag:$0x1] =	stream.linear.gather [hbm4b:s4+s3], $0x3000, $0x38;
	[tilespmem:$0x9000] =	vst v63  }
0x10: {  	_ =	swait.ge [sflag:s10], $0x3000  }
0x11: {  	[sflag:s10] =	ssyncset.done $0x0  }
0x12: {  	[sflag:s10] =	ssyncadd.s32 $0xFFFFD000  }
0x13: {  	[tilespmem:s3], [sflag:$0x1] =	stream.linear.gather [hbm4b:s6+s3], $0x3500, $0x38;
	[tilespmem:$0x9000] =	vst v63  }
0x14: {  	_ =	swait.ge [sflag:s10], $0x3500  }
0x15: {  	[sflag:s10] =	ssyncset.done $0x0  }
0x16: {  	[sflag:s10] =	ssyncadd.s32 $0xFFFFCB00  }
0x17: {  	[spmem:s12], [sflag:s11] =	dma.local [hbm:s5], $0x2800  }
0x18: {  	_ =	swait.ge [sflag:s10], $0x2800  }
0x19: {  	[sflag:s10] =	ssyncset.done $0x0  }
0x1a: {  	[sflag:s10] =	ssyncadd.s32 $0xFFFFD800  }
0x1b: {  	s15 =	simm.s32 $0x0;
	[bflag:$0x0] =	sbarrier.arrive $0xFFFF  }
0x1c: {  	[spmem:s1] =	stream.indirect.scatter.add.f32 [tilespmem:s9], [sflag:$0x1], $0x10, s15, s13, $0xb8;
	[tilespmem:$0x9000] =	vst v63  }
0x1d: {  	_ =	swait.ge [sflag:s10], $0x600  }
0x1e: {  	s15 =	simm.s32 $0x200;
	[sflag:s10] =	ssyncset.done $0x0  }
.LBB2_2:
0x1f: {  	s16 =	sshra.s32 s15, $0x2;
	[sflag:s10] =	ssyncadd.s32 $0xFFFFFA00;
	p0 =	sne.s32 s15, $0xD200  }
0x20: {  	[spmem:s1] =	stream.indirect.scatter.add.f32 [tilespmem:s9], [sflag:$0x1], $0x10, s16, s13, $0xb8;
	[tilespmem:$0x9000] =	vst v63  }
.Ltmp0:
0x21: {  	_ = 	snop;
	(pc) =	sbr.rel @p0 .LBB2_2-.Ltmp0, $4  }
0x22: {  	_ = 	snop  }
0x23: {  	s15 =	sadd.s32 $0x200, s15  }
0x24: {  	_ =	swait.ge [sflag:s10], $0x600  }
0x25: {  	[sflag:s10] =	ssyncset.done $0x0  }
0x26: {  	s14 =	sadd.s32 $0x1, s14  }
0x27: {  	[sflag:s10] =	ssyncadd.s32 $0xFFFFFA00;
	p0 =	sne.s32 s14, s8  }
.Ltmp1:
0x28: {  	[bflag:$0x0] =	sbarrier.arrive $0xFFFF;
	(pc) =	sbr.rel @p0 .LBB2_1-.Ltmp1, $4  }
0x29: {  	[hbm:s7], [sflag:s11] =	dma.local [spmem:s12], $0x2800  }
0x2a: {  	_ =	swait.ge [sflag:s10], $0x2800  }
0x2b: {  	[sflag:s10] =	ssyncset.done $0x0  }
0x2c: {  	[sflag:s10] =	ssyncadd.s32 $0xFFFFD800  }
0x2d: {  	_ =	sfence.sel $0x180000  }
0x2e: {  	[bflag:$0x0] =	sbarrier.arrive $0xFFFF  }
0x2f: {  	p0 =	sne.s32 s2, $0x0;
	_ =	strace $0x90000047  }
0x30: {  	s0 =	sadd.s32 @!p0 $0x100000, s0;
	[bflag:$0x2] =	sbarrier.arrive $0xFFFF  }
0x31: {  	[sflag:s0] =	ssyncadd.tile.s32 @!p0 $0x1;
	_ =	shalt  }
.Lfunc_end2:
_tile_overlayer_lowered:
.L_overlay_start_2:
0x32: {  	(tag) =	ssettag $0x2  }
0x33: {  	s0 =	rddreg [dreg:$0x0];
	s2 =	stileid.u32  }
0x34: {  	s1 =	rddreg [dreg:$0x1];
	p0 =	sne.s32 s2, $0x0  }
0x35: {  	s3 =	rddreg [dreg:$0x2];
	[bflag:$0x3] =	sbarrier.arrive $0xFFFF;
	s2 =	simm.s32 @!p0 $0x1C01  }
0x36: {  	[timem:s3], [sflag:s2] =	dma.local @!p0 [hbm:s0], s1  }
0x37: {  	s0 =	simm.s32 @!p0 $0x1  }
0x38: {  	_ =	swait.ge @!p0 [sflag:s0], s1  }
0x39: {  	s1 =	ssub.s32 @!p0 $0x0, s1;
	[sflag:s0] =	ssyncset.done @!p0 $0x0  }
0x3a: {  	[sflag:s0] =	ssyncadd.s32 @!p0 s1  }
0x3b: {  	[bflag:$0x3] =	sbarrier.arrive $0xFFFF  }
0x3c: {  	_ =	shalt  }

</sc_bundles>
